<compile_context>
chip_gen: v7x
topology: tpu7x:2x2x1
jax: 0.10.2.dev20260603
libtpu: 0.0.44.dev20260713+nightly
codegen_flags: <defaults>
</compile_context>

<pallas_src>
import functools
import jax
import jax.numpy as jnp
from jax import lax
from jax.experimental import pallas as pl
from jax.experimental.pallas import tpu as pltpu, tpu_sc as plsc

_REP = 2
_SH_ROWS = 16
_STREAM_ROWS = 80
_DMA_ROWS = 48


def kernel(x, table):
    batch, seq_len = x.shape
    _, dim = table.shape
    width = seq_len * dim
    flat = table[:seq_len].reshape(width)

    info = plsc.get_sparse_core_info()
    nc, ns = info.num_cores, info.num_subcores
    rows_per_sc = batch // nc
    assert _STREAM_ROWS + _DMA_ROWS == rows_per_sc // ns
    fill = _SH_ROWS // ns

    mesh = plsc.VectorSubcoreMesh(core_axis_name="c", subcore_axis_name="s")

    @functools.partial(
        pl.kernel,
        mesh=mesh,
        out_type=jax.ShapeDtypeStruct((batch, width), jnp.float32),
        scratch_types=[
            pltpu.VMEM((_REP, width), jnp.float32),
            pltpu.VMEM_SHARED((_SH_ROWS, width), jnp.float32),
            pltpu.SemaphoreType.DMA,
            pltpu.SemaphoreType.DMA,
        ],
    )
    def bcast(table_hbm, out_hbm, buf, shared, sem_st, sem_dm):
        c = lax.axis_index("c")
        s = lax.axis_index("s")
        for r in range(_REP):
            pltpu.sync_copy(table_hbm, buf.at[r])
        for r in range(fill):
            pltpu.sync_copy(table_hbm, shared.at[s * fill + r])
        plsc.subcore_barrier()
        st_base = c * rows_per_sc + s * _STREAM_ROWS
        dm_base = c * rows_per_sc + ns * _STREAM_ROWS + s * _DMA_ROWS
        copies = []
        for k in range(_DMA_ROWS // _SH_ROWS):
            copies.append(pltpu.async_copy(
                shared, out_hbm.at[pl.ds(dm_base + k * _SH_ROWS, _SH_ROWS)], sem_dm))
        for k in range(_STREAM_ROWS // _REP):
            copies.append(pltpu.async_copy(
                buf, out_hbm.at[pl.ds(st_base + k * _REP, _REP)], sem_st))
        for cp in copies:
            cp.wait()

    out = bcast(flat)
    return out.reshape(batch, seq_len, dim)

# --- scband reference (transcript-rebuilt; emitter-appended) ---
"""Pipeline reference for scband-positional-embedding-48704929136794 (READ-ONLY COPY).

The authoritative reference and input builder live on the scoring server;
editing this copy changes nothing except your own understanding.
"""

import jax, jax.numpy as jnp
import numpy as np

MAX_LEN = 200
DIM = 64
BATCH = 4096
SEQ_LEN = 200


def setup_inputs(seed: int = 0) -> dict:
    key = jax.random.key(seed)
    k1, k2 = jax.random.split(key)
    # x: token ids; only its shape is used by the module, but values are in-range anyway
    x = jax.random.randint(k1, (BATCH, SEQ_LEN), 0, MAX_LEN, dtype=jnp.int32)
    # learned positional embedding table, matching nn.Embedding(max_len, dim) init (N(0,1))
    table = jax.random.normal(k2, (MAX_LEN, DIM), dtype=jnp.float32)
    return {"x": x, "table": table}


def reference(x, table):
    batch_size, seq_len = x.shape
    # positions = arange(seq_len) repeated over batch
    positions = jnp.tile(jnp.arange(seq_len, dtype=jnp.int32)[None, :], (batch_size, 1))
    # embedding lookup: gather rows of the table
    return jnp.take(table, positions, axis=0)

if __name__ == "__main__":
    import jax
    _d = setup_inputs()
    print(jax.jit(kernel)(*tuple(_d.values())))

</pallas_src>

<mosaic_0001>
#map = affine_map<(d0, d1) -> (0)>
#map1 = affine_map<(d0, d1) -> (0, 0)>
module attributes {stable_mosaic.version = 14 : i64} {
  func.func @bcast(%arg0: i32, %arg1: i32, %arg2: memref<12800xf32, #tpu.memory_space<hbm>>, %arg3: memref<4096x12800xf32, #tpu.memory_space<hbm>>, %arg4: memref<2x12800xf32, #tpu.memory_space<vmem>>, %arg5: memref<16x12800xf32, #tpu.memory_space<vmem_shared>>, %arg6: memref<!tpu.dma_semaphore, #tpu.memory_space<semaphore_mem>>, %arg7: memref<!tpu.dma_semaphore, #tpu.memory_space<semaphore_mem>>) attributes {dimension_semantics = [#tpu.dimension_semantics<core_parallel>, #tpu.dimension_semantics<subcore_parallel>], iteration_bounds = array<i64: 2, 16>, scalar_prefetch = 0 : i64, scratch_operands = 4 : i64, tpu.core_type = #tpu.core_type<sc_vector_subcore>, window_params = [{transform_indices = #map}, {transform_indices = #map1}]} {
    %run_scoped3A = arith.constant 0 : i32
    "tpu.region"() ({
      %run_scoped3A_431 = tpu.sem_alloc : memref<!tpu.dma_semaphore, #tpu.memory_space<semaphore_mem>>
      %dma_start3A_432 = arith.constant 0 : i32
      %dma_start3A_433 = tpu.memref_slice %arg4[%run_scoped3A, %dma_start3A_432] : memref<2x12800xf32, #tpu.memory_space<vmem>> -> memref<1x12800xf32, #tpu.memory_space<vmem>>
      %dma_start3A_434 = tpu.memref_squeeze %dma_start3A_433 : memref<1x12800xf32, #tpu.memory_space<vmem>> -> memref<12800xf32, #tpu.memory_space<vmem>>
      %dma_start3A_435 = arith.constant 0 : i32
      %dma_start3A_436 = tpu.memref_slice %arg4[%run_scoped3A, %dma_start3A_435] : memref<2x12800xf32, #tpu.memory_space<vmem>> -> memref<1x12800xf32, #tpu.memory_space<vmem>>
      %dma_start3A_437 = tpu.memref_squeeze %dma_start3A_436 : memref<1x12800xf32, #tpu.memory_space<vmem>> -> memref<12800xf32, #tpu.memory_space<vmem>>
      tpu.enqueue_dma source(%arg2 : memref<12800xf32, #tpu.memory_space<hbm>>) target(%dma_start3A_437 : memref<12800xf32, #tpu.memory_space<vmem>>) target_semaphore(%run_scoped3A_431 : memref<!tpu.dma_semaphore, #tpu.memory_space<semaphore_mem>>)
      %dma_wait3A_438 = arith.constant 0 : i32
      %dma_wait3A_439 = tpu.memref_slice %arg4[%run_scoped3A, %dma_wait3A_438] : memref<2x12800xf32, #tpu.memory_space<vmem>> -> memref<1x12800xf32, #tpu.memory_space<vmem>>
      %dma_wait3A_440 = tpu.memref_squeeze %dma_wait3A_439 : memref<1x12800xf32, #tpu.memory_space<vmem>> -> memref<12800xf32, #tpu.memory_space<vmem>>
      %dma_wait3A_441 = arith.constant 0 : i32
      %dma_wait3A_442 = tpu.memref_slice %arg4[%run_scoped3A, %dma_wait3A_441] : memref<2x12800xf32, #tpu.memory_space<vmem>> -> memref<1x12800xf32, #tpu.memory_space<vmem>>
      %dma_wait3A_443 = tpu.memref_squeeze %dma_wait3A_442 : memref<1x12800xf32, #tpu.memory_space<vmem>> -> memref<12800xf32, #tpu.memory_space<vmem>>
      tpu.wait_dma2 semaphore(%run_scoped3A_431 : memref<!tpu.dma_semaphore, #tpu.memory_space<semaphore_mem>>) src(%arg2 : memref<12800xf32, #tpu.memory_space<hbm>>) dst(%dma_wait3A_443 : memref<12800xf32, #tpu.memory_space<vmem>>)
      tpu.yield
    }) : () -> ()
    %run_scoped3A_0 = arith.constant 1 : i32
    "tpu.region"() ({
      %run_scoped3A_431 = tpu.sem_alloc : memref<!tpu.dma_semaphore, #tpu.memory_space<semaphore_mem>>
      %dma_start3A_432 = arith.constant 0 : i32
      %dma_start3A_433 = tpu.memref_slice %arg4[%run_scoped3A_0, %dma_start3A_432] : memref<2x12800xf32, #tpu.memory_space<vmem>> -> memref<1x12800xf32, #tpu.memory_space<vmem>>
      %dma_start3A_434 = tpu.memref_squeeze %dma_start3A_433 : memref<1x12800xf32, #tpu.memory_space<vmem>> -> memref<12800xf32, #tpu.memory_space<vmem>>
      %dma_start3A_435 = arith.constant 0 : i32
      %dma_start3A_436 = tpu.memref_slice %arg4[%run_scoped3A_0, %dma_start3A_435] : memref<2x12800xf32, #tpu.memory_space<vmem>> -> memref<1x12800xf32, #tpu.memory_space<vmem>>
      %dma_start3A_437 = tpu.memref_squeeze %dma_start3A_436 : memref<1x12800xf32, #tpu.memory_space<vmem>> -> memref<12800xf32, #tpu.memory_space<vmem>>
      tpu.enqueue_dma source(%arg2 : memref<12800xf32, #tpu.memory_space<hbm>>) target(%dma_start3A_437 : memref<12800xf32, #tpu.memory_space<vmem>>) target_semaphore(%run_scoped3A_431 : memref<!tpu.dma_semaphore, #tpu.memory_space<semaphore_mem>>)
      %dma_wait3A_438 = arith.constant 0 : i32
      %dma_wait3A_439 = tpu.memref_slice %arg4[%run_scoped3A_0, %dma_wait3A_438] : memref<2x12800xf32, #tpu.memory_space<vmem>> -> memref<1x12800xf32, #tpu.memory_space<vmem>>
      %dma_wait3A_440 = tpu.memref_squeeze %dma_wait3A_439 : memref<1x12800xf32, #tpu.memory_space<vmem>> -> memref<12800xf32, #tpu.memory_space<vmem>>
      %dma_wait3A_441 = arith.constant 0 : i32
      %dma_wait3A_442 = tpu.memref_slice %arg4[%run_scoped3A_0, %dma_wait3A_441] : memref<2x12800xf32, #tpu.memory_space<vmem>> -> memref<1x12800xf32, #tpu.memory_space<vmem>>
      %dma_wait3A_443 = tpu.memref_squeeze %dma_wait3A_442 : memref<1x12800xf32, #tpu.memory_space<vmem>> -> memref<12800xf32, #tpu.memory_space<vmem>>
      tpu.wait_dma2 semaphore(%run_scoped3A_431 : memref<!tpu.dma_semaphore, #tpu.memory_space<semaphore_mem>>) src(%arg2 : memref<12800xf32, #tpu.memory_space<hbm>>) dst(%dma_wait3A_443 : memref<12800xf32, #tpu.memory_space<vmem>>)
      tpu.yield
    }) : () -> ()
    %mul3A = arith.constant 1 : i32
    %mul3A_1 = arith.muli %arg1, %mul3A : i32
    %add3A = arith.constant 0 : i32
    %add3A_2 = arith.addi %mul3A_1, %add3A : i32
    "tpu.region"() ({
      %run_scoped3A_431 = tpu.sem_alloc : memref<!tpu.dma_semaphore, #tpu.memory_space<semaphore_mem>>
      %dma_start3A_432 = arith.constant 0 : i32
      %dma_start3A_433 = tpu.memref_slice %arg5[%add3A_2, %dma_start3A_432] : memref<16x12800xf32, #tpu.memory_space<vmem_shared>> -> memref<1x12800xf32, #tpu.memory_space<vmem_shared>>
      %dma_start3A_434 = tpu.memref_squeeze %dma_start3A_433 : memref<1x12800xf32, #tpu.memory_space<vmem_shared>> -> memref<12800xf32, #tpu.memory_space<vmem_shared>>
      tpu.enqueue_dma source(%arg2 : memref<12800xf32, #tpu.memory_space<hbm>>) target(%dma_start3A_434 : memref<12800xf32, #tpu.memory_space<vmem_shared>>) target_semaphore(%run_scoped3A_431 : memref<!tpu.dma_semaphore, #tpu.memory_space<semaphore_mem>>)
      %dma_wait3A_435 = arith.constant 0 : i32
      %dma_wait3A_436 = tpu.memref_slice %arg5[%add3A_2, %dma_wait3A_435] : memref<16x12800xf32, #tpu.memory_space<vmem_shared>> -> memref<1x12800xf32, #tpu.memory_space<vmem_shared>>
      %dma_wait3A_437 = tpu.memref_squeeze %dma_wait3A_436 : memref<1x12800xf32, #tpu.memory_space<vmem_shared>> -> memref<12800xf32, #tpu.memory_space<vmem_shared>>
      tpu.wait_dma2 semaphore(%run_scoped3A_431 : memref<!tpu.dma_semaphore, #tpu.memory_space<semaphore_mem>>) src(%arg2 : memref<12800xf32, #tpu.memory_space<hbm>>) dst(%dma_wait3A_437 : memref<12800xf32, #tpu.memory_space<vmem_shared>>)
      tpu.yield
    }) : () -> ()
    %barrier3A = arith.constant 0 : index
    tpu.barrier barrier_id(%barrier3A)
    %mul3A_3 = arith.constant 2048 : i32
    %mul3A_4 = arith.muli %arg0, %mul3A_3 : i32
    %mul3A_5 = arith.constant 80 : i32
    %mul3A_6 = arith.muli %arg1, %mul3A_5 : i32
    %add3A_7 = arith.addi %mul3A_4, %mul3A_6 : i32
    %mul3A_8 = arith.constant 2048 : i32
    %mul3A_9 = arith.muli %arg0, %mul3A_8 : i32
    %add3A_10 = arith.constant 1280 : i32
    %add3A_11 = arith.addi %mul3A_9, %add3A_10 : i32
    %mul3A_12 = arith.constant 48 : i32
    %mul3A_13 = arith.muli %arg1, %mul3A_12 : i32
    %add3A_14 = arith.addi %add3A_11, %mul3A_13 : i32
    %add3A_15 = arith.constant 0 : i32
    %add3A_16 = arith.addi %add3A_14, %add3A_15 : i32
    %dma_start3A = arith.constant 0 : i32
    %dma_start3A_17 = tpu.memref_slice %arg3[%add3A_16, %dma_start3A] : memref<4096x12800xf32, #tpu.memory_space<hbm>> -> memref<16x12800xf32, #tpu.memory_space<hbm>>
    tpu.enqueue_dma source(%arg5 : memref<16x12800xf32, #tpu.memory_space<vmem_shared>>) target(%dma_start3A_17 : memref<16x12800xf32, #tpu.memory_space<hbm>>) target_semaphore(%arg7 : memref<!tpu.dma_semaphore, #tpu.memory_space<semaphore_mem>>)
    %add3A_18 = arith.constant 16 : i32
    %add3A_19 = arith.addi %add3A_14, %add3A_18 : i32
    %dma_start3A_20 = arith.constant 0 : i32
    %dma_start3A_21 = tpu.memref_slice %arg3[%add3A_19, %dma_start3A_20] : memref<4096x12800xf32, #tpu.memory_space<hbm>> -> memref<16x12800xf32, #tpu.memory_space<hbm>>
    tpu.enqueue_dma source(%arg5 : memref<16x12800xf32, #tpu.memory_space<vmem_shared>>) target(%dma_start3A_21 : memref<16x12800xf32, #tpu.memory_space<hbm>>) target_semaphore(%arg7 : memref<!tpu.dma_semaphore, #tpu.memory_space<semaphore_mem>>)
    %add3A_22 = arith.constant 32 : i32
    %add3A_23 = arith.addi %add3A_14, %add3A_22 : i32
    %dma_start3A_24 = arith.constant 0 : i32
    %dma_start3A_25 = tpu.memref_slice %arg3[%add3A_23, %dma_start3A_24] : memref<4096x12800xf32, #tpu.memory_space<hbm>> -> memref<16x12800xf32, #tpu.memory_space<hbm>>
    tpu.enqueue_dma source(%arg5 : memref<16x12800xf32, #tpu.memory_space<vmem_shared>>) target(%dma_start3A_25 : memref<16x12800xf32, #tpu.memory_space<hbm>>) target_semaphore(%arg7 : memref<!tpu.dma_semaphore, #tpu.memory_space<semaphore_mem>>)
    %add3A_26 = arith.constant 0 : i32
    %add3A_27 = arith.addi %add3A_7, %add3A_26 : i32
    %dma_start3A_28 = arith.constant 0 : i32
    %dma_start3A_29 = tpu.memref_slice %arg3[%add3A_27, %dma_start3A_28] : memref<4096x12800xf32, #tpu.memory_space<hbm>> -> memref<2x12800xf32, #tpu.memory_space<hbm>>
    %dma_start3A_30 = arith.constant 0 : i32
    %dma_start3A_31 = tpu.memref_slice %arg3[%add3A_27, %dma_start3A_30] : memref<4096x12800xf32, #tpu.memory_space<hbm>> -> memref<2x12800xf32, #tpu.memory_space<hbm>>
    tpu.enqueue_dma source(%arg4 : memref<2x12800xf32, #tpu.memory_space<vmem>>) target(%dma_start3A_31 : memref<2x12800xf32, #tpu.memory_space<hbm>>) target_semaphore(%arg6 : memref<!tpu.dma_semaphore, #tpu.memory_space<semaphore_mem>>)
    %add3A_32 = arith.constant 2 : i32
    %add3A_33 = arith.addi %add3A_7, %add3A_32 : i32
    %dma_start3A_34 = arith.constant 0 : i32
    %dma_start3A_35 = tpu.memref_slice %arg3[%add3A_33, %dma_start3A_34] : memref<4096x12800xf32, #tpu.memory_space<hbm>> -> memref<2x12800xf32, #tpu.memory_space<hbm>>
    %dma_start3A_36 = arith.constant 0 : i32
    %dma_start3A_37 = tpu.memref_slice %arg3[%add3A_33, %dma_start3A_36] : memref<4096x12800xf32, #tpu.memory_space<hbm>> -> memref<2x12800xf32, #tpu.memory_space<hbm>>
    tpu.enqueue_dma source(%arg4 : memref<2x12800xf32, #tpu.memory_space<vmem>>) target(%dma_start3A_37 : memref<2x12800xf32, #tpu.memory_space<hbm>>) target_semaphore(%arg6 : memref<!tpu.dma_semaphore, #tpu.memory_space<semaphore_mem>>)
    %add3A_38 = arith.constant 4 : i32
    %add3A_39 = arith.addi %add3A_7, %add3A_38 : i32
    %dma_start3A_40 = arith.constant 0 : i32
    %dma_start3A_41 = tpu.memref_slice %arg3[%add3A_39, %dma_start3A_40] : memref<4096x12800xf32, #tpu.memory_space<hbm>> -> memref<2x12800xf32, #tpu.memory_space<hbm>>
    %dma_start3A_42 = arith.constant 0 : i32
    %dma_start3A_43 = tpu.memref_slice %arg3[%add3A_39, %dma_start3A_42] : memref<4096x12800xf32, #tpu.memory_space<hbm>> -> memref<2x12800xf32, #tpu.memory_space<hbm>>
    tpu.enqueue_dma source(%arg4 : memref<2x12800xf32, #tpu.memory_space<vmem>>) target(%dma_start3A_43 : memref<2x12800xf32, #tpu.memory_space<hbm>>) target_semaphore(%arg6 : memref<!tpu.dma_semaphore, #tpu.memory_space<semaphore_mem>>)
    %add3A_44 = arith.constant 6 : i32
    %add3A_45 = arith.addi %add3A_7, %add3A_44 : i32
    %dma_start3A_46 = arith.constant 0 : i32
    %dma_start3A_47 = tpu.memref_slice %arg3[%add3A_45, %dma_start3A_46] : memref<4096x12800xf32, #tpu.memory_space<hbm>> -> memref<2x12800xf32, #tpu.memory_space<hbm>>
    %dma_start3A_48 = arith.constant 0 : i32
    %dma_start3A_49 = tpu.memref_slice %arg3[%add3A_45, %dma_start3A_48] : memref<4096x12800xf32, #tpu.memory_space<hbm>> -> memref<2x12800xf32, #tpu.memory_space<hbm>>
    tpu.enqueue_dma source(%arg4 : memref<2x12800xf32, #tpu.memory_space<vmem>>) target(%dma_start3A_49 : memref<2x12800xf32, #tpu.memory_space<hbm>>) target_semaphore(%arg6 : memref<!tpu.dma_semaphore, #tpu.memory_space<semaphore_mem>>)
    %add3A_50 = arith.constant 8 : i32
    %add3A_51 = arith.addi %add3A_7, %add3A_50 : i32
    %dma_start3A_52 = arith.constant 0 : i32
    %dma_start3A_53 = tpu.memref_slice %arg3[%add3A_51, %dma_start3A_52] : memref<4096x12800xf32, #tpu.memory_space<hbm>> -> memref<2x12800xf32, #tpu.memory_space<hbm>>
    %dma_start3A_54 = arith.constant 0 : i32
    %dma_start3A_55 = tpu.memref_slice %arg3[%add3A_51, %dma_start3A_54] : memref<4096x12800xf32, #tpu.memory_space<hbm>> -> memref<2x12800xf32, #tpu.memory_space<hbm>>
    tpu.enqueue_dma source(%arg4 : memref<2x12800xf32, #tpu.memory_space<vmem>>) target(%dma_start3A_55 : memref<2x12800xf32, #tpu.memory_space<hbm>>) target_semaphore(%arg6 : memref<!tpu.dma_semaphore, #tpu.memory_space<semaphore_mem>>)
    %add3A_56 = arith.constant 10 : i32
    %add3A_57 = arith.addi %add3A_7, %add3A_56 : i32
    %dma_start3A_58 = arith.constant 0 : i32
    %dma_start3A_59 = tpu.memref_slice %arg3[%add3A_57, %dma_start3A_58] : memref<4096x12800xf32, #tpu.memory_space<hbm>> -> memref<2x12800xf32, #tpu.memory_space<hbm>>
    %dma_start3A_60 = arith.constant 0 : i32
    %dma_start3A_61 = tpu.memref_slice %arg3[%add3A_57, %dma_start3A_60] : memref<4096x12800xf32, #tpu.memory_space<hbm>> -> memref<2x12800xf32, #tpu.memory_space<hbm>>
    tpu.enqueue_dma source(%arg4 : memref<2x12800xf32, #tpu.memory_space<vmem>>) target(%dma_start3A_61 : memref<2x12800xf32, #tpu.memory_space<hbm>>) target_semaphore(%arg6 : memref<!tpu.dma_semaphore, #tpu.memory_space<semaphore_mem>>)
    %add3A_62 = arith.constant 12 : i32
    %add3A_63 = arith.addi %add3A_7, %add3A_62 : i32
    %dma_start3A_64 = arith.constant 0 : i32
    %dma_start3A_65 = tpu.memref_slice %arg3[%add3A_63, %dma_start3A_64] : memref<4096x12800xf32, #tpu.memory_space<hbm>> -> memref<2x12800xf32, #tpu.memory_space<hbm>>
    %dma_start3A_66 = arith.constant 0 : i32
    %dma_start3A_67 = tpu.memref_slice %arg3[%add3A_63, %dma_start3A_66] : memref<4096x12800xf32, #tpu.memory_space<hbm>> -> memref<2x12800xf32, #tpu.memory_space<hbm>>
    tpu.enqueue_dma source(%arg4 : memref<2x12800xf32, #tpu.memory_space<vmem>>) target(%dma_start3A_67 : memref<2x12800xf32, #tpu.memory_space<hbm>>) target_semaphore(%arg6 : memref<!tpu.dma_semaphore, #tpu.memory_space<semaphore_mem>>)
    %add3A_68 = arith.constant 14 : i32
    %add3A_69 = arith.addi %add3A_7, %add3A_68 : i32
    %dma_start3A_70 = arith.constant 0 : i32
    %dma_start3A_71 = tpu.memref_slice %arg3[%add3A_69, %dma_start3A_70] : memref<4096x12800xf32, #tpu.memory_space<hbm>> -> memref<2x12800xf32, #tpu.memory_space<hbm>>
    %dma_start3A_72 = arith.constant 0 : i32
    %dma_start3A_73 = tpu.memref_slice %arg3[%add3A_69, %dma_start3A_72] : memref<4096x12800xf32, #tpu.memory_space<hbm>> -> memref<2x12800xf32, #tpu.memory_space<hbm>>
    tpu.enqueue_dma source(%arg4 : memref<2x12800xf32, #tpu.memory_space<vmem>>) target(%dma_start3A_73 : memref<2x12800xf32, #tpu.memory_space<hbm>>) target_semaphore(%arg6 : memref<!tpu.dma_semaphore, #tpu.memory_space<semaphore_mem>>)
    %add3A_74 = arith.constant 16 : i32
    %add3A_75 = arith.addi %add3A_7, %add3A_74 : i32
    %dma_start3A_76 = arith.constant 0 : i32
    %dma_start3A_77 = tpu.memref_slice %arg3[%add3A_75, %dma_start3A_76] : memref<4096x12800xf32, #tpu.memory_space<hbm>> -> memref<2x12800xf32, #tpu.memory_space<hbm>>
    %dma_start3A_78 = arith.constant 0 : i32
    %dma_start3A_79 = tpu.memref_slice %arg3[%add3A_75, %dma_start3A_78] : memref<4096x12800xf32, #tpu.memory_space<hbm>> -> memref<2x12800xf32, #tpu.memory_space<hbm>>
    tpu.enqueue_dma source(%arg4 : memref<2x12800xf32, #tpu.memory_space<vmem>>) target(%dma_start3A_79 : memref<2x12800xf32, #tpu.memory_space<hbm>>) target_semaphore(%arg6 : memref<!tpu.dma_semaphore, #tpu.memory_space<semaphore_mem>>)
    %add3A_80 = arith.constant 18 : i32
    %add3A_81 = arith.addi %add3A_7, %add3A_80 : i32
    %dma_start3A_82 = arith.constant 0 : i32
    %dma_start3A_83 = tpu.memref_slice %arg3[%add3A_81, %dma_start3A_82] : memref<4096x12800xf32, #tpu.memory_space<hbm>> -> memref<2x12800xf32, #tpu.memory_space<hbm>>
    %dma_start3A_84 = arith.constant 0 : i32
    %dma_start3A_85 = tpu.memref_slice %arg3[%add3A_81, %dma_start3A_84] : memref<4096x12800xf32, #tpu.memory_space<hbm>> -> memref<2x12800xf32, #tpu.memory_space<hbm>>
    tpu.enqueue_dma source(%arg4 : memref<2x12800xf32, #tpu.memory_space<vmem>>) target(%dma_start3A_85 : memref<2x12800xf32, #tpu.memory_space<hbm>>) target_semaphore(%arg6 : memref<!tpu.dma_semaphore, #tpu.memory_space<semaphore_mem>>)
    %add3A_86 = arith.constant 20 : i32
    %add3A_87 = arith.addi %add3A_7, %add3A_86 : i32
    %dma_start3A_88 = arith.constant 0 : i32
    %dma_start3A_89 = tpu.memref_slice %arg3[%add3A_87, %dma_start3A_88] : memref<4096x12800xf32, #tpu.memory_space<hbm>> -> memref<2x12800xf32, #tpu.memory_space<hbm>>
    %dma_start3A_90 = arith.constant 0 : i32
    %dma_start3A_91 = tpu.memref_slice %arg3[%add3A_87, %dma_start3A_90] : memref<4096x12800xf32, #tpu.memory_space<hbm>> -> memref<2x12800xf32, #tpu.memory_space<hbm>>
    tpu.enqueue_dma source(%arg4 : memref<2x12800xf32, #tpu.memory_space<vmem>>) target(%dma_start3A_91 : memref<2x12800xf32, #tpu.memory_space<hbm>>) target_semaphore(%arg6 : memref<!tpu.dma_semaphore, #tpu.memory_space<semaphore_mem>>)
    %add3A_92 = arith.constant 22 : i32
    %add3A_93 = arith.addi %add3A_7, %add3A_92 : i32
    %dma_start3A_94 = arith.constant 0 : i32
    %dma_start3A_95 = tpu.memref_slice %arg3[%add3A_93, %dma_start3A_94] : memref<4096x12800xf32, #tpu.memory_space<hbm>> -> memref<2x12800xf32, #tpu.memory_space<hbm>>
    %dma_start3A_96 = arith.constant 0 : i32
    %dma_start3A_97 = tpu.memref_slice %arg3[%add3A_93, %dma_start3A_96] : memref<4096x12800xf32, #tpu.memory_space<hbm>> -> memref<2x12800xf32, #tpu.memory_space<hbm>>
    tpu.enqueue_dma source(%arg4 : memref<2x12800xf32, #tpu.memory_space<vmem>>) target(%dma_start3A_97 : memref<2x12800xf32, #tpu.memory_space<hbm>>) target_semaphore(%arg6 : memref<!tpu.dma_semaphore, #tpu.memory_space<semaphore_mem>>)
    %add3A_98 = arith.constant 24 : i32
    %add3A_99 = arith.addi %add3A_7, %add3A_98 : i32
    %dma_start3A_100 = arith.constant 0 : i32
    %dma_start3A_101 = tpu.memref_slice %arg3[%add3A_99, %dma_start3A_100] : memref<4096x12800xf32, #tpu.memory_space<hbm>> -> memref<2x12800xf32, #tpu.memory_space<hbm>>
    %dma_start3A_102 = arith.constant 0 : i32
    %dma_start3A_103 = tpu.memref_slice %arg3[%add3A_99, %dma_start3A_102] : memref<4096x12800xf32, #tpu.memory_space<hbm>> -> memref<2x12800xf32, #tpu.memory_space<hbm>>
    tpu.enqueue_dma source(%arg4 : memref<2x12800xf32, #tpu.memory_space<vmem>>) target(%dma_start3A_103 : memref<2x12800xf32, #tpu.memory_space<hbm>>) target_semaphore(%arg6 : memref<!tpu.dma_semaphore, #tpu.memory_space<semaphore_mem>>)
    %add3A_104 = arith.constant 26 : i32
    %add3A_105 = arith.addi %add3A_7, %add3A_104 : i32
    %dma_start3A_106 = arith.constant 0 : i32
    %dma_start3A_107 = tpu.memref_slice %arg3[%add3A_105, %dma_start3A_106] : memref<4096x12800xf32, #tpu.memory_space<hbm>> -> memref<2x12800xf32, #tpu.memory_space<hbm>>
    %dma_start3A_108 = arith.constant 0 : i32
    %dma_start3A_109 = tpu.memref_slice %arg3[%add3A_105, %dma_start3A_108] : memref<4096x12800xf32, #tpu.memory_space<hbm>> -> memref<2x12800xf32, #tpu.memory_space<hbm>>
    tpu.enqueue_dma source(%arg4 : memref<2x12800xf32, #tpu.memory_space<vmem>>) target(%dma_start3A_109 : memref<2x12800xf32, #tpu.memory_space<hbm>>) target_semaphore(%arg6 : memref<!tpu.dma_semaphore, #tpu.memory_space<semaphore_mem>>)
    %add3A_110 = arith.constant 28 : i32
    %add3A_111 = arith.addi %add3A_7, %add3A_110 : i32
    %dma_start3A_112 = arith.constant 0 : i32
    %dma_start3A_113 = tpu.memref_slice %arg3[%add3A_111, %dma_start3A_112] : memref<4096x12800xf32, #tpu.memory_space<hbm>> -> memref<2x12800xf32, #tpu.memory_space<hbm>>
    %dma_start3A_114 = arith.constant 0 : i32
    %dma_start3A_115 = tpu.memref_slice %arg3[%add3A_111, %dma_start3A_114] : memref<4096x12800xf32, #tpu.memory_space<hbm>> -> memref<2x12800xf32, #tpu.memory_space<hbm>>
    tpu.enqueue_dma source(%arg4 : memref<2x12800xf32, #tpu.memory_space<vmem>>) target(%dma_start3A_115 : memref<2x12800xf32, #tpu.memory_space<hbm>>) target_semaphore(%arg6 : memref<!tpu.dma_semaphore, #tpu.memory_space<semaphore_mem>>)
    %add3A_116 = arith.constant 30 : i32
    %add3A_117 = arith.addi %add3A_7, %add3A_116 : i32
    %dma_start3A_118 = arith.constant 0 : i32
    %dma_start3A_119 = tpu.memref_slice %arg3[%add3A_117, %dma_start3A_118] : memref<4096x12800xf32, #tpu.memory_space<hbm>> -> memref<2x12800xf32, #tpu.memory_space<hbm>>
    %dma_start3A_120 = arith.constant 0 : i32
    %dma_start3A_121 = tpu.memref_slice %arg3[%add3A_117, %dma_start3A_120] : memref<4096x12800xf32, #tpu.memory_space<hbm>> -> memref<2x12800xf32, #tpu.memory_space<hbm>>
    tpu.enqueue_dma source(%arg4 : memref<2x12800xf32, #tpu.memory_space<vmem>>) target(%dma_start3A_121 : memref<2x12800xf32, #tpu.memory_space<hbm>>) target_semaphore(%arg6 : memref<!tpu.dma_semaphore, #tpu.memory_space<semaphore_mem>>)
    %add3A_122 = arith.constant 32 : i32
    %add3A_123 = arith.addi %add3A_7, %add3A_122 : i32
    %dma_start3A_124 = arith.constant 0 : i32
    %dma_start3A_125 = tpu.memref_slice %arg3[%add3A_123, %dma_start3A_124] : memref<4096x12800xf32, #tpu.memory_space<hbm>> -> memref<2x12800xf32, #tpu.memory_space<hbm>>
    %dma_start3A_126 = arith.constant 0 : i32
    %dma_start3A_127 = tpu.memref_slice %arg3[%add3A_123, %dma_start3A_126] : memref<4096x12800xf32, #tpu.memory_space<hbm>> -> memref<2x12800xf32, #tpu.memory_space<hbm>>
    tpu.enqueue_dma source(%arg4 : memref<2x12800xf32, #tpu.memory_space<vmem>>) target(%dma_start3A_127 : memref<2x12800xf32, #tpu.memory_space<hbm>>) target_semaphore(%arg6 : memref<!tpu.dma_semaphore, #tpu.memory_space<semaphore_mem>>)
    %add3A_128 = arith.constant 34 : i32
    %add3A_129 = arith.addi %add3A_7, %add3A_128 : i32
    %dma_start3A_130 = arith.constant 0 : i32
    %dma_start3A_131 = tpu.memref_slice %arg3[%add3A_129, %dma_start3A_130] : memref<4096x12800xf32, #tpu.memory_space<hbm>> -> memref<2x12800xf32, #tpu.memory_space<hbm>>
    %dma_start3A_132 = arith.constant 0 : i32
    %dma_start3A_133 = tpu.memref_slice %arg3[%add3A_129, %dma_start3A_132] : memref<4096x12800xf32, #tpu.memory_space<hbm>> -> memref<2x12800xf32, #tpu.memory_space<hbm>>
    tpu.enqueue_dma source(%arg4 : memref<2x12800xf32, #tpu.memory_space<vmem>>) target(%dma_start3A_133 : memref<2x12800xf32, #tpu.memory_space<hbm>>) target_semaphore(%arg6 : memref<!tpu.dma_semaphore, #tpu.memory_space<semaphore_mem>>)
    %add3A_134 = arith.constant 36 : i32
    %add3A_135 = arith.addi %add3A_7, %add3A_134 : i32
    %dma_start3A_136 = arith.constant 0 : i32
    %dma_start3A_137 = tpu.memref_slice %arg3[%add3A_135, %dma_start3A_136] : memref<4096x12800xf32, #tpu.memory_space<hbm>> -> memref<2x12800xf32, #tpu.memory_space<hbm>>
    %dma_start3A_138 = arith.constant 0 : i32
    %dma_start3A_139 = tpu.memref_slice %arg3[%add3A_135, %dma_start3A_138] : memref<4096x12800xf32, #tpu.memory_space<hbm>> -> memref<2x12800xf32, #tpu.memory_space<hbm>>
    tpu.enqueue_dma source(%arg4 : memref<2x12800xf32, #tpu.memory_space<vmem>>) target(%dma_start3A_139 : memref<2x12800xf32, #tpu.memory_space<hbm>>) target_semaphore(%arg6 : memref<!tpu.dma_semaphore, #tpu.memory_space<semaphore_mem>>)
    %add3A_140 = arith.constant 38 : i32
    %add3A_141 = arith.addi %add3A_7, %add3A_140 : i32
    %dma_start3A_142 = arith.constant 0 : i32
    %dma_start3A_143 = tpu.memref_slice %arg3[%add3A_141, %dma_start3A_142] : memref<4096x12800xf32, #tpu.memory_space<hbm>> -> memref<2x12800xf32, #tpu.memory_space<hbm>>
    %dma_start3A_144 = arith.constant 0 : i32
    %dma_start3A_145 = tpu.memref_slice %arg3[%add3A_141, %dma_start3A_144] : memref<4096x12800xf32, #tpu.memory_space<hbm>> -> memref<2x12800xf32, #tpu.memory_space<hbm>>
    tpu.enqueue_dma source(%arg4 : memref<2x12800xf32, #tpu.memory_space<vmem>>) target(%dma_start3A_145 : memref<2x12800xf32, #tpu.memory_space<hbm>>) target_semaphore(%arg6 : memref<!tpu.dma_semaphore, #tpu.memory_space<semaphore_mem>>)
    %add3A_146 = arith.constant 40 : i32
    %add3A_147 = arith.addi %add3A_7, %add3A_146 : i32
    %dma_start3A_148 = arith.constant 0 : i32
    %dma_start3A_149 = tpu.memref_slice %arg3[%add3A_147, %dma_start3A_148] : memref<4096x12800xf32, #tpu.memory_space<hbm>> -> memref<2x12800xf32, #tpu.memory_space<hbm>>
    %dma_start3A_150 = arith.constant 0 : i32
    %dma_start3A_151 = tpu.memref_slice %arg3[%add3A_147, %dma_start3A_150] : memref<4096x12800xf32, #tpu.memory_space<hbm>> -> memref<2x12800xf32, #tpu.memory_space<hbm>>
    tpu.enqueue_dma source(%arg4 : memref<2x12800xf32, #tpu.memory_space<vmem>>) target(%dma_start3A_151 : memref<2x12800xf32, #tpu.memory_space<hbm>>) target_semaphore(%arg6 : memref<!tpu.dma_semaphore, #tpu.memory_space<semaphore_mem>>)
    %add3A_152 = arith.constant 42 : i32
    %add3A_153 = arith.addi %add3A_7, %add3A_152 : i32
    %dma_start3A_154 = arith.constant 0 : i32
    %dma_start3A_155 = tpu.memref_slice %arg3[%add3A_153, %dma_start3A_154] : memref<4096x12800xf32, #tpu.memory_space<hbm>> -> memref<2x12800xf32, #tpu.memory_space<hbm>>
    %dma_start3A_156 = arith.constant 0 : i32
    %dma_start3A_157 = tpu.memref_slice %arg3[%add3A_153, %dma_start3A_156] : memref<4096x12800xf32, #tpu.memory_space<hbm>> -> memref<2x12800xf32, #tpu.memory_space<hbm>>
    tpu.enqueue_dma source(%arg4 : memref<2x12800xf32, #tpu.memory_space<vmem>>) target(%dma_start3A_157 : memref<2x12800xf32, #tpu.memory_space<hbm>>) target_semaphore(%arg6 : memref<!tpu.dma_semaphore, #tpu.memory_space<semaphore_mem>>)
    %add3A_158 = arith.constant 44 : i32
    %add3A_159 = arith.addi %add3A_7, %add3A_158 : i32
    %dma_start3A_160 = arith.constant 0 : i32
    %dma_start3A_161 = tpu.memref_slice %arg3[%add3A_159, %dma_start3A_160] : memref<4096x12800xf32, #tpu.memory_space<hbm>> -> memref<2x12800xf32, #tpu.memory_space<hbm>>
    %dma_start3A_162 = arith.constant 0 : i32
    %dma_start3A_163 = tpu.memref_slice %arg3[%add3A_159, %dma_start3A_162] : memref<4096x12800xf32, #tpu.memory_space<hbm>> -> memref<2x12800xf32, #tpu.memory_space<hbm>>
    tpu.enqueue_dma source(%arg4 : memref<2x12800xf32, #tpu.memory_space<vmem>>) target(%dma_start3A_163 : memref<2x12800xf32, #tpu.memory_space<hbm>>) target_semaphore(%arg6 : memref<!tpu.dma_semaphore, #tpu.memory_space<semaphore_mem>>)
    %add3A_164 = arith.constant 46 : i32
    %add3A_165 = arith.addi %add3A_7, %add3A_164 : i32
    %dma_start3A_166 = arith.constant 0 : i32
    %dma_start3A_167 = tpu.memref_slice %arg3[%add3A_165, %dma_start3A_166] : memref<4096x12800xf32, #tpu.memory_space<hbm>> -> memref<2x12800xf32, #tpu.memory_space<hbm>>
    %dma_start3A_168 = arith.constant 0 : i32
    %dma_start3A_169 = tpu.memref_slice %arg3[%add3A_165, %dma_start3A_168] : memref<4096x12800xf32, #tpu.memory_space<hbm>> -> memref<2x12800xf32, #tpu.memory_space<hbm>>
    tpu.enqueue_dma source(%arg4 : memref<2x12800xf32, #tpu.memory_space<vmem>>) target(%dma_start3A_169 : memref<2x12800xf32, #tpu.memory_space<hbm>>) target_semaphore(%arg6 : memref<!tpu.dma_semaphore, #tpu.memory_space<semaphore_mem>>)
    %add3A_170 = arith.constant 48 : i32
    %add3A_171 = arith.addi %add3A_7, %add3A_170 : i32
    %dma_start3A_172 = arith.constant 0 : i32
    %dma_start3A_173 = tpu.memref_slice %arg3[%add3A_171, %dma_start3A_172] : memref<4096x12800xf32, #tpu.memory_space<hbm>> -> memref<2x12800xf32, #tpu.memory_space<hbm>>
    %dma_start3A_174 = arith.constant 0 : i32
    %dma_start3A_175 = tpu.memref_slice %arg3[%add3A_171, %dma_start3A_174] : memref<4096x12800xf32, #tpu.memory_space<hbm>> -> memref<2x12800xf32, #tpu.memory_space<hbm>>
    tpu.enqueue_dma source(%arg4 : memref<2x12800xf32, #tpu.memory_space<vmem>>) target(%dma_start3A_175 : memref<2x12800xf32, #tpu.memory_space<hbm>>) target_semaphore(%arg6 : memref<!tpu.dma_semaphore, #tpu.memory_space<semaphore_mem>>)
    %add3A_176 = arith.constant 50 : i32
    %add3A_177 = arith.addi %add3A_7, %add3A_176 : i32
    %dma_start3A_178 = arith.constant 0 : i32
    %dma_start3A_179 = tpu.memref_slice %arg3[%add3A_177, %dma_start3A_178] : memref<4096x12800xf32, #tpu.memory_space<hbm>> -> memref<2x12800xf32, #tpu.memory_space<hbm>>
    %dma_start3A_180 = arith.constant 0 : i32
    %dma_start3A_181 = tpu.memref_slice %arg3[%add3A_177, %dma_start3A_180] : memref<4096x12800xf32, #tpu.memory_space<hbm>> -> memref<2x12800xf32, #tpu.memory_space<hbm>>
    tpu.enqueue_dma source(%arg4 : memref<2x12800xf32, #tpu.memory_space<vmem>>) target(%dma_start3A_181 : memref<2x12800xf32, #tpu.memory_space<hbm>>) target_semaphore(%arg6 : memref<!tpu.dma_semaphore, #tpu.memory_space<semaphore_mem>>)
    %add3A_182 = arith.constant 52 : i32
    %add3A_183 = arith.addi %add3A_7, %add3A_182 : i32
    %dma_start3A_184 = arith.constant 0 : i32
    %dma_start3A_185 = tpu.memref_slice %arg3[%add3A_183, %dma_start3A_184] : memref<4096x12800xf32, #tpu.memory_space<hbm>> -> memref<2x12800xf32, #tpu.memory_space<hbm>>
    %dma_start3A_186 = arith.constant 0 : i32
    %dma_start3A_187 = tpu.memref_slice %arg3[%add3A_183, %dma_start3A_186] : memref<4096x12800xf32, #tpu.memory_space<hbm>> -> memref<2x12800xf32, #tpu.memory_space<hbm>>
    tpu.enqueue_dma source(%arg4 : memref<2x12800xf32, #tpu.memory_space<vmem>>) target(%dma_start3A_187 : memref<2x12800xf32, #tpu.memory_space<hbm>>) target_semaphore(%arg6 : memref<!tpu.dma_semaphore, #tpu.memory_space<semaphore_mem>>)
    %add3A_188 = arith.constant 54 : i32
    %add3A_189 = arith.addi %add3A_7, %add3A_188 : i32
    %dma_start3A_190 = arith.constant 0 : i32
    %dma_start3A_191 = tpu.memref_slice %arg3[%add3A_189, %dma_start3A_190] : memref<4096x12800xf32, #tpu.memory_space<hbm>> -> memref<2x12800xf32, #tpu.memory_space<hbm>>
    %dma_start3A_192 = arith.constant 0 : i32
    %dma_start3A_193 = tpu.memref_slice %arg3[%add3A_189, %dma_start3A_192] : memref<4096x12800xf32, #tpu.memory_space<hbm>> -> memref<2x12800xf32, #tpu.memory_space<hbm>>
    tpu.enqueue_dma source(%arg4 : memref<2x12800xf32, #tpu.memory_space<vmem>>) target(%dma_start3A_193 : memref<2x12800xf32, #tpu.memory_space<hbm>>) target_semaphore(%arg6 : memref<!tpu.dma_semaphore, #tpu.memory_space<semaphore_mem>>)
    %add3A_194 = arith.constant 56 : i32
    %add3A_195 = arith.addi %add3A_7, %add3A_194 : i32
    %dma_start3A_196 = arith.constant 0 : i32
    %dma_start3A_197 = tpu.memref_slice %arg3[%add3A_195, %dma_start3A_196] : memref<4096x12800xf32, #tpu.memory_space<hbm>> -> memref<2x12800xf32, #tpu.memory_space<hbm>>
    %dma_start3A_198 = arith.constant 0 : i32
    %dma_start3A_199 = tpu.memref_slice %arg3[%add3A_195, %dma_start3A_198] : memref<4096x12800xf32, #tpu.memory_space<hbm>> -> memref<2x12800xf32, #tpu.memory_space<hbm>>
    tpu.enqueue_dma source(%arg4 : memref<2x12800xf32, #tpu.memory_space<vmem>>) target(%dma_start3A_199 : memref<2x12800xf32, #tpu.memory_space<hbm>>) target_semaphore(%arg6 : memref<!tpu.dma_semaphore, #tpu.memory_space<semaphore_mem>>)
    %add3A_200 = arith.constant 58 : i32
    %add3A_201 = arith.addi %add3A_7, %add3A_200 : i32
    %dma_start3A_202 = arith.constant 0 : i32
    %dma_start3A_203 = tpu.memref_slice %arg3[%add3A_201, %dma_start3A_202] : memref<4096x12800xf32, #tpu.memory_space<hbm>> -> memref<2x12800xf32, #tpu.memory_space<hbm>>
    %dma_start3A_204 = arith.constant 0 : i32
    %dma_start3A_205 = tpu.memref_slice %arg3[%add3A_201, %dma_start3A_204] : memref<4096x12800xf32, #tpu.memory_space<hbm>> -> memref<2x12800xf32, #tpu.memory_space<hbm>>
    tpu.enqueue_dma source(%arg4 : memref<2x12800xf32, #tpu.memory_space<vmem>>) target(%dma_start3A_205 : memref<2x12800xf32, #tpu.memory_space<hbm>>) target_semaphore(%arg6 : memref<!tpu.dma_semaphore, #tpu.memory_space<semaphore_mem>>)
    %add3A_206 = arith.constant 60 : i32
    %add3A_207 = arith.addi %add3A_7, %add3A_206 : i32
    %dma_start3A_208 = arith.constant 0 : i32
    %dma_start3A_209 = tpu.memref_slice %arg3[%add3A_207, %dma_start3A_208] : memref<4096x12800xf32, #tpu.memory_space<hbm>> -> memref<2x12800xf32, #tpu.memory_space<hbm>>
    %dma_start3A_210 = arith.constant 0 : i32
    %dma_start3A_211 = tpu.memref_slice %arg3[%add3A_207, %dma_start3A_210] : memref<4096x12800xf32, #tpu.memory_space<hbm>> -> memref<2x12800xf32, #tpu.memory_space<hbm>>
    tpu.enqueue_dma source(%arg4 : memref<2x12800xf32, #tpu.memory_space<vmem>>) target(%dma_start3A_211 : memref<2x12800xf32, #tpu.memory_space<hbm>>) target_semaphore(%arg6 : memref<!tpu.dma_semaphore, #tpu.memory_space<semaphore_mem>>)
    %add3A_212 = arith.constant 62 : i32
    %add3A_213 = arith.addi %add3A_7, %add3A_212 : i32
    %dma_start3A_214 = arith.constant 0 : i32
    %dma_start3A_215 = tpu.memref_slice %arg3[%add3A_213, %dma_start3A_214] : memref<4096x12800xf32, #tpu.memory_space<hbm>> -> memref<2x12800xf32, #tpu.memory_space<hbm>>
    %dma_start3A_216 = arith.constant 0 : i32
    %dma_start3A_217 = tpu.memref_slice %arg3[%add3A_213, %dma_start3A_216] : memref<4096x12800xf32, #tpu.memory_space<hbm>> -> memref<2x12800xf32, #tpu.memory_space<hbm>>
    tpu.enqueue_dma source(%arg4 : memref<2x12800xf32, #tpu.memory_space<vmem>>) target(%dma_start3A_217 : memref<2x12800xf32, #tpu.memory_space<hbm>>) target_semaphore(%arg6 : memref<!tpu.dma_semaphore, #tpu.memory_space<semaphore_mem>>)
    %add3A_218 = arith.constant 64 : i32
    %add3A_219 = arith.addi %add3A_7, %add3A_218 : i32
    %dma_start3A_220 = arith.constant 0 : i32
    %dma_start3A_221 = tpu.memref_slice %arg3[%add3A_219, %dma_start3A_220] : memref<4096x12800xf32, #tpu.memory_space<hbm>> -> memref<2x12800xf32, #tpu.memory_space<hbm>>
    %dma_start3A_222 = arith.constant 0 : i32
    %dma_start3A_223 = tpu.memref_slice %arg3[%add3A_219, %dma_start3A_222] : memref<4096x12800xf32, #tpu.memory_space<hbm>> -> memref<2x12800xf32, #tpu.memory_space<hbm>>
    tpu.enqueue_dma source(%arg4 : memref<2x12800xf32, #tpu.memory_space<vmem>>) target(%dma_start3A_223 : memref<2x12800xf32, #tpu.memory_space<hbm>>) target_semaphore(%arg6 : memref<!tpu.dma_semaphore, #tpu.memory_space<semaphore_mem>>)
    %add3A_224 = arith.constant 66 : i32
    %add3A_225 = arith.addi %add3A_7, %add3A_224 : i32
    %dma_start3A_226 = arith.constant 0 : i32
    %dma_start3A_227 = tpu.memref_slice %arg3[%add3A_225, %dma_start3A_226] : memref<4096x12800xf32, #tpu.memory_space<hbm>> -> memref<2x12800xf32, #tpu.memory_space<hbm>>
    %dma_start3A_228 = arith.constant 0 : i32
    %dma_start3A_229 = tpu.memref_slice %arg3[%add3A_225, %dma_start3A_228] : memref<4096x12800xf32, #tpu.memory_space<hbm>> -> memref<2x12800xf32, #tpu.memory_space<hbm>>
    tpu.enqueue_dma source(%arg4 : memref<2x12800xf32, #tpu.memory_space<vmem>>) target(%dma_start3A_229 : memref<2x12800xf32, #tpu.memory_space<hbm>>) target_semaphore(%arg6 : memref<!tpu.dma_semaphore, #tpu.memory_space<semaphore_mem>>)
    %add3A_230 = arith.constant 68 : i32
    %add3A_231 = arith.addi %add3A_7, %add3A_230 : i32
    %dma_start3A_232 = arith.constant 0 : i32
    %dma_start3A_233 = tpu.memref_slice %arg3[%add3A_231, %dma_start3A_232] : memref<4096x12800xf32, #tpu.memory_space<hbm>> -> memref<2x12800xf32, #tpu.memory_space<hbm>>
    %dma_start3A_234 = arith.constant 0 : i32
    %dma_start3A_235 = tpu.memref_slice %arg3[%add3A_231, %dma_start3A_234] : memref<4096x12800xf32, #tpu.memory_space<hbm>> -> memref<2x12800xf32, #tpu.memory_space<hbm>>
    tpu.enqueue_dma source(%arg4 : memref<2x12800xf32, #tpu.memory_space<vmem>>) target(%dma_start3A_235 : memref<2x12800xf32, #tpu.memory_space<hbm>>) target_semaphore(%arg6 : memref<!tpu.dma_semaphore, #tpu.memory_space<semaphore_mem>>)
    %add3A_236 = arith.constant 70 : i32
    %add3A_237 = arith.addi %add3A_7, %add3A_236 : i32
    %dma_start3A_238 = arith.constant 0 : i32
    %dma_start3A_239 = tpu.memref_slice %arg3[%add3A_237, %dma_start3A_238] : memref<4096x12800xf32, #tpu.memory_space<hbm>> -> memref<2x12800xf32, #tpu.memory_space<hbm>>
    %dma_start3A_240 = arith.constant 0 : i32
    %dma_start3A_241 = tpu.memref_slice %arg3[%add3A_237, %dma_start3A_240] : memref<4096x12800xf32, #tpu.memory_space<hbm>> -> memref<2x12800xf32, #tpu.memory_space<hbm>>
    tpu.enqueue_dma source(%arg4 : memref<2x12800xf32, #tpu.memory_space<vmem>>) target(%dma_start3A_241 : memref<2x12800xf32, #tpu.memory_space<hbm>>) target_semaphore(%arg6 : memref<!tpu.dma_semaphore, #tpu.memory_space<semaphore_mem>>)
    %add3A_242 = arith.constant 72 : i32
    %add3A_243 = arith.addi %add3A_7, %add3A_242 : i32
    %dma_start3A_244 = arith.constant 0 : i32
    %dma_start3A_245 = tpu.memref_slice %arg3[%add3A_243, %dma_start3A_244] : memref<4096x12800xf32, #tpu.memory_space<hbm>> -> memref<2x12800xf32, #tpu.memory_space<hbm>>
    %dma_start3A_246 = arith.constant 0 : i32
    %dma_start3A_247 = tpu.memref_slice %arg3[%add3A_243, %dma_start3A_246] : memref<4096x12800xf32, #tpu.memory_space<hbm>> -> memref<2x12800xf32, #tpu.memory_space<hbm>>
    tpu.enqueue_dma source(%arg4 : memref<2x12800xf32, #tpu.memory_space<vmem>>) target(%dma_start3A_247 : memref<2x12800xf32, #tpu.memory_space<hbm>>) target_semaphore(%arg6 : memref<!tpu.dma_semaphore, #tpu.memory_space<semaphore_mem>>)
    %add3A_248 = arith.constant 74 : i32
    %add3A_249 = arith.addi %add3A_7, %add3A_248 : i32
    %dma_start3A_250 = arith.constant 0 : i32
    %dma_start3A_251 = tpu.memref_slice %arg3[%add3A_249, %dma_start3A_250] : memref<4096x12800xf32, #tpu.memory_space<hbm>> -> memref<2x12800xf32, #tpu.memory_space<hbm>>
    %dma_start3A_252 = arith.constant 0 : i32
    %dma_start3A_253 = tpu.memref_slice %arg3[%add3A_249, %dma_start3A_252] : memref<4096x12800xf32, #tpu.memory_space<hbm>> -> memref<2x12800xf32, #tpu.memory_space<hbm>>
    tpu.enqueue_dma source(%arg4 : memref<2x12800xf32, #tpu.memory_space<vmem>>) target(%dma_start3A_253 : memref<2x12800xf32, #tpu.memory_space<hbm>>) target_semaphore(%arg6 : memref<!tpu.dma_semaphore, #tpu.memory_space<semaphore_mem>>)
    %add3A_254 = arith.constant 76 : i32
    %add3A_255 = arith.addi %add3A_7, %add3A_254 : i32
    %dma_start3A_256 = arith.constant 0 : i32
    %dma_start3A_257 = tpu.memref_slice %arg3[%add3A_255, %dma_start3A_256] : memref<4096x12800xf32, #tpu.memory_space<hbm>> -> memref<2x12800xf32, #tpu.memory_space<hbm>>
    %dma_start3A_258 = arith.constant 0 : i32
    %dma_start3A_259 = tpu.memref_slice %arg3[%add3A_255, %dma_start3A_258] : memref<4096x12800xf32, #tpu.memory_space<hbm>> -> memref<2x12800xf32, #tpu.memory_space<hbm>>
    tpu.enqueue_dma source(%arg4 : memref<2x12800xf32, #tpu.memory_space<vmem>>) target(%dma_start3A_259 : memref<2x12800xf32, #tpu.memory_space<hbm>>) target_semaphore(%arg6 : memref<!tpu.dma_semaphore, #tpu.memory_space<semaphore_mem>>)
    %add3A_260 = arith.constant 78 : i32
    %add3A_261 = arith.addi %add3A_7, %add3A_260 : i32
    %dma_start3A_262 = arith.constant 0 : i32
    %dma_start3A_263 = tpu.memref_slice %arg3[%add3A_261, %dma_start3A_262] : memref<4096x12800xf32, #tpu.memory_space<hbm>> -> memref<2x12800xf32, #tpu.memory_space<hbm>>
    %dma_start3A_264 = arith.constant 0 : i32
    %dma_start3A_265 = tpu.memref_slice %arg3[%add3A_261, %dma_start3A_264] : memref<4096x12800xf32, #tpu.memory_space<hbm>> -> memref<2x12800xf32, #tpu.memory_space<hbm>>
    tpu.enqueue_dma source(%arg4 : memref<2x12800xf32, #tpu.memory_space<vmem>>) target(%dma_start3A_265 : memref<2x12800xf32, #tpu.memory_space<hbm>>) target_semaphore(%arg6 : memref<!tpu.dma_semaphore, #tpu.memory_space<semaphore_mem>>)
    %dma_wait3A = arith.constant 0 : i32
    %dma_wait3A_266 = tpu.memref_slice %arg3[%add3A_16, %dma_wait3A] : memref<4096x12800xf32, #tpu.memory_space<hbm>> -> memref<16x12800xf32, #tpu.memory_space<hbm>>
    tpu.wait_dma2 semaphore(%arg7 : memref<!tpu.dma_semaphore, #tpu.memory_space<semaphore_mem>>) src(%arg5 : memref<16x12800xf32, #tpu.memory_space<vmem_shared>>) dst(%dma_wait3A_266 : memref<16x12800xf32, #tpu.memory_space<hbm>>)
    %dma_wait3A_267 = arith.constant 0 : i32
    %dma_wait3A_268 = tpu.memref_slice %arg3[%add3A_19, %dma_wait3A_267] : memref<4096x12800xf32, #tpu.memory_space<hbm>> -> memref<16x12800xf32, #tpu.memory_space<hbm>>
    tpu.wait_dma2 semaphore(%arg7 : memref<!tpu.dma_semaphore, #tpu.memory_space<semaphore_mem>>) src(%arg5 : memref<16x12800xf32, #tpu.memory_space<vmem_shared>>) dst(%dma_wait3A_268 : memref<16x12800xf32, #tpu.memory_space<hbm>>)
    %dma_wait3A_269 = arith.constant 0 : i32
    %dma_wait3A_270 = tpu.memref_slice %arg3[%add3A_23, %dma_wait3A_269] : memref<4096x12800xf32, #tpu.memory_space<hbm>> -> memref<16x12800xf32, #tpu.memory_space<hbm>>
    tpu.wait_dma2 semaphore(%arg7 : memref<!tpu.dma_semaphore, #tpu.memory_space<semaphore_mem>>) src(%arg5 : memref<16x12800xf32, #tpu.memory_space<vmem_shared>>) dst(%dma_wait3A_270 : memref<16x12800xf32, #tpu.memory_space<hbm>>)
    %dma_wait3A_271 = arith.constant 0 : i32
    %dma_wait3A_272 = tpu.memref_slice %arg3[%add3A_27, %dma_wait3A_271] : memref<4096x12800xf32, #tpu.memory_space<hbm>> -> memref<2x12800xf32, #tpu.memory_space<hbm>>
    %dma_wait3A_273 = arith.constant 0 : i32
    %dma_wait3A_274 = tpu.memref_slice %arg3[%add3A_27, %dma_wait3A_273] : memref<4096x12800xf32, #tpu.memory_space<hbm>> -> memref<2x12800xf32, #tpu.memory_space<hbm>>
    tpu.wait_dma2 semaphore(%arg6 : memref<!tpu.dma_semaphore, #tpu.memory_space<semaphore_mem>>) src(%arg4 : memref<2x12800xf32, #tpu.memory_space<vmem>>) dst(%dma_wait3A_274 : memref<2x12800xf32, #tpu.memory_space<hbm>>)
    %dma_wait3A_275 = arith.constant 0 : i32
    %dma_wait3A_276 = tpu.memref_slice %arg3[%add3A_33, %dma_wait3A_275] : memref<4096x12800xf32, #tpu.memory_space<hbm>> -> memref<2x12800xf32, #tpu.memory_space<hbm>>
    %dma_wait3A_277 = arith.constant 0 : i32
    %dma_wait3A_278 = tpu.memref_slice %arg3[%add3A_33, %dma_wait3A_277] : memref<4096x12800xf32, #tpu.memory_space<hbm>> -> memref<2x12800xf32, #tpu.memory_space<hbm>>
    tpu.wait_dma2 semaphore(%arg6 : memref<!tpu.dma_semaphore, #tpu.memory_space<semaphore_mem>>) src(%arg4 : memref<2x12800xf32, #tpu.memory_space<vmem>>) dst(%dma_wait3A_278 : memref<2x12800xf32, #tpu.memory_space<hbm>>)
    %dma_wait3A_279 = arith.constant 0 : i32
    %dma_wait3A_280 = tpu.memref_slice %arg3[%add3A_39, %dma_wait3A_279] : memref<4096x12800xf32, #tpu.memory_space<hbm>> -> memref<2x12800xf32, #tpu.memory_space<hbm>>
    %dma_wait3A_281 = arith.constant 0 : i32
    %dma_wait3A_282 = tpu.memref_slice %arg3[%add3A_39, %dma_wait3A_281] : memref<4096x12800xf32, #tpu.memory_space<hbm>> -> memref<2x12800xf32, #tpu.memory_space<hbm>>
    tpu.wait_dma2 semaphore(%arg6 : memref<!tpu.dma_semaphore, #tpu.memory_space<semaphore_mem>>) src(%arg4 : memref<2x12800xf32, #tpu.memory_space<vmem>>) dst(%dma_wait3A_282 : memref<2x12800xf32, #tpu.memory_space<hbm>>)
    %dma_wait3A_283 = arith.constant 0 : i32
    %dma_wait3A_284 = tpu.memref_slice %arg3[%add3A_45, %dma_wait3A_283] : memref<4096x12800xf32, #tpu.memory_space<hbm>> -> memref<2x12800xf32, #tpu.memory_space<hbm>>
    %dma_wait3A_285 = arith.constant 0 : i32
    %dma_wait3A_286 = tpu.memref_slice %arg3[%add3A_45, %dma_wait3A_285] : memref<4096x12800xf32, #tpu.memory_space<hbm>> -> memref<2x12800xf32, #tpu.memory_space<hbm>>
    tpu.wait_dma2 semaphore(%arg6 : memref<!tpu.dma_semaphore, #tpu.memory_space<semaphore_mem>>) src(%arg4 : memref<2x12800xf32, #tpu.memory_space<vmem>>) dst(%dma_wait3A_286 : memref<2x12800xf32, #tpu.memory_space<hbm>>)
    %dma_wait3A_287 = arith.constant 0 : i32
    %dma_wait3A_288 = tpu.memref_slice %arg3[%add3A_51, %dma_wait3A_287] : memref<4096x12800xf32, #tpu.memory_space<hbm>> -> memref<2x12800xf32, #tpu.memory_space<hbm>>
    %dma_wait3A_289 = arith.constant 0 : i32
    %dma_wait3A_290 = tpu.memref_slice %arg3[%add3A_51, %dma_wait3A_289] : memref<4096x12800xf32, #tpu.memory_space<hbm>> -> memref<2x12800xf32, #tpu.memory_space<hbm>>
    tpu.wait_dma2 semaphore(%arg6 : memref<!tpu.dma_semaphore, #tpu.memory_space<semaphore_mem>>) src(%arg4 : memref<2x12800xf32, #tpu.memory_space<vmem>>) dst(%dma_wait3A_290 : memref<2x12800xf32, #tpu.memory_space<hbm>>)
    %dma_wait3A_291 = arith.constant 0 : i32
    %dma_wait3A_292 = tpu.memref_slice %arg3[%add3A_57, %dma_wait3A_291] : memref<4096x12800xf32, #tpu.memory_space<hbm>> -> memref<2x12800xf32, #tpu.memory_space<hbm>>
    %dma_wait3A_293 = arith.constant 0 : i32
    %dma_wait3A_294 = tpu.memref_slice %arg3[%add3A_57, %dma_wait3A_293] : memref<4096x12800xf32, #tpu.memory_space<hbm>> -> memref<2x12800xf32, #tpu.memory_space<hbm>>
    tpu.wait_dma2 semaphore(%arg6 : memref<!tpu.dma_semaphore, #tpu.memory_space<semaphore_mem>>) src(%arg4 : memref<2x12800xf32, #tpu.memory_space<vmem>>) dst(%dma_wait3A_294 : memref<2x12800xf32, #tpu.memory_space<hbm>>)
    %dma_wait3A_295 = arith.constant 0 : i32
    %dma_wait3A_296 = tpu.memref_slice %arg3[%add3A_63, %dma_wait3A_295] : memref<4096x12800xf32, #tpu.memory_space<hbm>> -> memref<2x12800xf32, #tpu.memory_space<hbm>>
    %dma_wait3A_297 = arith.constant 0 : i32
    %dma_wait3A_298 = tpu.memref_slice %arg3[%add3A_63, %dma_wait3A_297] : memref<4096x12800xf32, #tpu.memory_space<hbm>> -> memref<2x12800xf32, #tpu.memory_space<hbm>>
    tpu.wait_dma2 semaphore(%arg6 : memref<!tpu.dma_semaphore, #tpu.memory_space<semaphore_mem>>) src(%arg4 : memref<2x12800xf32, #tpu.memory_space<vmem>>) dst(%dma_wait3A_298 : memref<2x12800xf32, #tpu.memory_space<hbm>>)
    %dma_wait3A_299 = arith.constant 0 : i32
    %dma_wait3A_300 = tpu.memref_slice %arg3[%add3A_69, %dma_wait3A_299] : memref<4096x12800xf32, #tpu.memory_space<hbm>> -> memref<2x12800xf32, #tpu.memory_space<hbm>>
    %dma_wait3A_301 = arith.constant 0 : i32
    %dma_wait3A_302 = tpu.memref_slice %arg3[%add3A_69, %dma_wait3A_301] : memref<4096x12800xf32, #tpu.memory_space<hbm>> -> memref<2x12800xf32, #tpu.memory_space<hbm>>
    tpu.wait_dma2 semaphore(%arg6 : memref<!tpu.dma_semaphore, #tpu.memory_space<semaphore_mem>>) src(%arg4 : memref<2x12800xf32, #tpu.memory_space<vmem>>) dst(%dma_wait3A_302 : memref<2x12800xf32, #tpu.memory_space<hbm>>)
    %dma_wait3A_303 = arith.constant 0 : i32
    %dma_wait3A_304 = tpu.memref_slice %arg3[%add3A_75, %dma_wait3A_303] : memref<4096x12800xf32, #tpu.memory_space<hbm>> -> memref<2x12800xf32, #tpu.memory_space<hbm>>
    %dma_wait3A_305 = arith.constant 0 : i32
    %dma_wait3A_306 = tpu.memref_slice %arg3[%add3A_75, %dma_wait3A_305] : memref<4096x12800xf32, #tpu.memory_space<hbm>> -> memref<2x12800xf32, #tpu.memory_space<hbm>>
    tpu.wait_dma2 semaphore(%arg6 : memref<!tpu.dma_semaphore, #tpu.memory_space<semaphore_mem>>) src(%arg4 : memref<2x12800xf32, #tpu.memory_space<vmem>>) dst(%dma_wait3A_306 : memref<2x12800xf32, #tpu.memory_space<hbm>>)
    %dma_wait3A_307 = arith.constant 0 : i32
    %dma_wait3A_308 = tpu.memref_slice %arg3[%add3A_81, %dma_wait3A_307] : memref<4096x12800xf32, #tpu.memory_space<hbm>> -> memref<2x12800xf32, #tpu.memory_space<hbm>>
    %dma_wait3A_309 = arith.constant 0 : i32
    %dma_wait3A_310 = tpu.memref_slice %arg3[%add3A_81, %dma_wait3A_309] : memref<4096x12800xf32, #tpu.memory_space<hbm>> -> memref<2x12800xf32, #tpu.memory_space<hbm>>
    tpu.wait_dma2 semaphore(%arg6 : memref<!tpu.dma_semaphore, #tpu.memory_space<semaphore_mem>>) src(%arg4 : memref<2x12800xf32, #tpu.memory_space<vmem>>) dst(%dma_wait3A_310 : memref<2x12800xf32, #tpu.memory_space<hbm>>)
    %dma_wait3A_311 = arith.constant 0 : i32
    %dma_wait3A_312 = tpu.memref_slice %arg3[%add3A_87, %dma_wait3A_311] : memref<4096x12800xf32, #tpu.memory_space<hbm>> -> memref<2x12800xf32, #tpu.memory_space<hbm>>
    %dma_wait3A_313 = arith.constant 0 : i32
    %dma_wait3A_314 = tpu.memref_slice %arg3[%add3A_87, %dma_wait3A_313] : memref<4096x12800xf32, #tpu.memory_space<hbm>> -> memref<2x12800xf32, #tpu.memory_space<hbm>>
    tpu.wait_dma2 semaphore(%arg6 : memref<!tpu.dma_semaphore, #tpu.memory_space<semaphore_mem>>) src(%arg4 : memref<2x12800xf32, #tpu.memory_space<vmem>>) dst(%dma_wait3A_314 : memref<2x12800xf32, #tpu.memory_space<hbm>>)
    %dma_wait3A_315 = arith.constant 0 : i32
    %dma_wait3A_316 = tpu.memref_slice %arg3[%add3A_93, %dma_wait3A_315] : memref<4096x12800xf32, #tpu.memory_space<hbm>> -> memref<2x12800xf32, #tpu.memory_space<hbm>>
    %dma_wait3A_317 = arith.constant 0 : i32
    %dma_wait3A_318 = tpu.memref_slice %arg3[%add3A_93, %dma_wait3A_317] : memref<4096x12800xf32, #tpu.memory_space<hbm>> -> memref<2x12800xf32, #tpu.memory_space<hbm>>
    tpu.wait_dma2 semaphore(%arg6 : memref<!tpu.dma_semaphore, #tpu.memory_space<semaphore_mem>>) src(%arg4 : memref<2x12800xf32, #tpu.memory_space<vmem>>) dst(%dma_wait3A_318 : memref<2x12800xf32, #tpu.memory_space<hbm>>)
    %dma_wait3A_319 = arith.constant 0 : i32
    %dma_wait3A_320 = tpu.memref_slice %arg3[%add3A_99, %dma_wait3A_319] : memref<4096x12800xf32, #tpu.memory_space<hbm>> -> memref<2x12800xf32, #tpu.memory_space<hbm>>
    %dma_wait3A_321 = arith.constant 0 : i32
    %dma_wait3A_322 = tpu.memref_slice %arg3[%add3A_99, %dma_wait3A_321] : memref<4096x12800xf32, #tpu.memory_space<hbm>> -> memref<2x12800xf32, #tpu.memory_space<hbm>>
    tpu.wait_dma2 semaphore(%arg6 : memref<!tpu.dma_semaphore, #tpu.memory_space<semaphore_mem>>) src(%arg4 : memref<2x12800xf32, #tpu.memory_space<vmem>>) dst(%dma_wait3A_322 : memref<2x12800xf32, #tpu.memory_space<hbm>>)
    %dma_wait3A_323 = arith.constant 0 : i32
    %dma_wait3A_324 = tpu.memref_slice %arg3[%add3A_105, %dma_wait3A_323] : memref<4096x12800xf32, #tpu.memory_space<hbm>> -> memref<2x12800xf32, #tpu.memory_space<hbm>>
    %dma_wait3A_325 = arith.constant 0 : i32
    %dma_wait3A_326 = tpu.memref_slice %arg3[%add3A_105, %dma_wait3A_325] : memref<4096x12800xf32, #tpu.memory_space<hbm>> -> memref<2x12800xf32, #tpu.memory_space<hbm>>
    tpu.wait_dma2 semaphore(%arg6 : memref<!tpu.dma_semaphore, #tpu.memory_space<semaphore_mem>>) src(%arg4 : memref<2x12800xf32, #tpu.memory_space<vmem>>) dst(%dma_wait3A_326 : memref<2x12800xf32, #tpu.memory_space<hbm>>)
    %dma_wait3A_327 = arith.constant 0 : i32
    %dma_wait3A_328 = tpu.memref_slice %arg3[%add3A_111, %dma_wait3A_327] : memref<4096x12800xf32, #tpu.memory_space<hbm>> -> memref<2x12800xf32, #tpu.memory_space<hbm>>
    %dma_wait3A_329 = arith.constant 0 : i32
    %dma_wait3A_330 = tpu.memref_slice %arg3[%add3A_111, %dma_wait3A_329] : memref<4096x12800xf32, #tpu.memory_space<hbm>> -> memref<2x12800xf32, #tpu.memory_space<hbm>>
    tpu.wait_dma2 semaphore(%arg6 : memref<!tpu.dma_semaphore, #tpu.memory_space<semaphore_mem>>) src(%arg4 : memref<2x12800xf32, #tpu.memory_space<vmem>>) dst(%dma_wait3A_330 : memref<2x12800xf32, #tpu.memory_space<hbm>>)
    %dma_wait3A_331 = arith.constant 0 : i32
    %dma_wait3A_332 = tpu.memref_slice %arg3[%add3A_117, %dma_wait3A_331] : memref<4096x12800xf32, #tpu.memory_space<hbm>> -> memref<2x12800xf32, #tpu.memory_space<hbm>>
    %dma_wait3A_333 = arith.constant 0 : i32
    %dma_wait3A_334 = tpu.memref_slice %arg3[%add3A_117, %dma_wait3A_333] : memref<4096x12800xf32, #tpu.memory_space<hbm>> -> memref<2x12800xf32, #tpu.memory_space<hbm>>
    tpu.wait_dma2 semaphore(%arg6 : memref<!tpu.dma_semaphore, #tpu.memory_space<semaphore_mem>>) src(%arg4 : memref<2x12800xf32, #tpu.memory_space<vmem>>) dst(%dma_wait3A_334 : memref<2x12800xf32, #tpu.memory_space<hbm>>)
    %dma_wait3A_335 = arith.constant 0 : i32
    %dma_wait3A_336 = tpu.memref_slice %arg3[%add3A_123, %dma_wait3A_335] : memref<4096x12800xf32, #tpu.memory_space<hbm>> -> memref<2x12800xf32, #tpu.memory_space<hbm>>
    %dma_wait3A_337 = arith.constant 0 : i32
    %dma_wait3A_338 = tpu.memref_slice %arg3[%add3A_123, %dma_wait3A_337] : memref<4096x12800xf32, #tpu.memory_space<hbm>> -> memref<2x12800xf32, #tpu.memory_space<hbm>>
    tpu.wait_dma2 semaphore(%arg6 : memref<!tpu.dma_semaphore, #tpu.memory_space<semaphore_mem>>) src(%arg4 : memref<2x12800xf32, #tpu.memory_space<vmem>>) dst(%dma_wait3A_338 : memref<2x12800xf32, #tpu.memory_space<hbm>>)
    %dma_wait3A_339 = arith.constant 0 : i32
    %dma_wait3A_340 = tpu.memref_slice %arg3[%add3A_129, %dma_wait3A_339] : memref<4096x12800xf32, #tpu.memory_space<hbm>> -> memref<2x12800xf32, #tpu.memory_space<hbm>>
    %dma_wait3A_341 = arith.constant 0 : i32
    %dma_wait3A_342 = tpu.memref_slice %arg3[%add3A_129, %dma_wait3A_341] : memref<4096x12800xf32, #tpu.memory_space<hbm>> -> memref<2x12800xf32, #tpu.memory_space<hbm>>
    tpu.wait_dma2 semaphore(%arg6 : memref<!tpu.dma_semaphore, #tpu.memory_space<semaphore_mem>>) src(%arg4 : memref<2x12800xf32, #tpu.memory_space<vmem>>) dst(%dma_wait3A_342 : memref<2x12800xf32, #tpu.memory_space<hbm>>)
    %dma_wait3A_343 = arith.constant 0 : i32
    %dma_wait3A_344 = tpu.memref_slice %arg3[%add3A_135, %dma_wait3A_343] : memref<4096x12800xf32, #tpu.memory_space<hbm>> -> memref<2x12800xf32, #tpu.memory_space<hbm>>
    %dma_wait3A_345 = arith.constant 0 : i32
    %dma_wait3A_346 = tpu.memref_slice %arg3[%add3A_135, %dma_wait3A_345] : memref<4096x12800xf32, #tpu.memory_space<hbm>> -> memref<2x12800xf32, #tpu.memory_space<hbm>>
    tpu.wait_dma2 semaphore(%arg6 : memref<!tpu.dma_semaphore, #tpu.memory_space<semaphore_mem>>) src(%arg4 : memref<2x12800xf32, #tpu.memory_space<vmem>>) dst(%dma_wait3A_346 : memref<2x12800xf32, #tpu.memory_space<hbm>>)
    %dma_wait3A_347 = arith.constant 0 : i32
    %dma_wait3A_348 = tpu.memref_slice %arg3[%add3A_141, %dma_wait3A_347] : memref<4096x12800xf32, #tpu.memory_space<hbm>> -> memref<2x12800xf32, #tpu.memory_space<hbm>>
    %dma_wait3A_349 = arith.constant 0 : i32
    %dma_wait3A_350 = tpu.memref_slice %arg3[%add3A_141, %dma_wait3A_349] : memref<4096x12800xf32, #tpu.memory_space<hbm>> -> memref<2x12800xf32, #tpu.memory_space<hbm>>
    tpu.wait_dma2 semaphore(%arg6 : memref<!tpu.dma_semaphore, #tpu.memory_space<semaphore_mem>>) src(%arg4 : memref<2x12800xf32, #tpu.memory_space<vmem>>) dst(%dma_wait3A_350 : memref<2x12800xf32, #tpu.memory_space<hbm>>)
    %dma_wait3A_351 = arith.constant 0 : i32
    %dma_wait3A_352 = tpu.memref_slice %arg3[%add3A_147, %dma_wait3A_351] : memref<4096x12800xf32, #tpu.memory_space<hbm>> -> memref<2x12800xf32, #tpu.memory_space<hbm>>
    %dma_wait3A_353 = arith.constant 0 : i32
    %dma_wait3A_354 = tpu.memref_slice %arg3[%add3A_147, %dma_wait3A_353] : memref<4096x12800xf32, #tpu.memory_space<hbm>> -> memref<2x12800xf32, #tpu.memory_space<hbm>>
    tpu.wait_dma2 semaphore(%arg6 : memref<!tpu.dma_semaphore, #tpu.memory_space<semaphore_mem>>) src(%arg4 : memref<2x12800xf32, #tpu.memory_space<vmem>>) dst(%dma_wait3A_354 : memref<2x12800xf32, #tpu.memory_space<hbm>>)
    %dma_wait3A_355 = arith.constant 0 : i32
    %dma_wait3A_356 = tpu.memref_slice %arg3[%add3A_153, %dma_wait3A_355] : memref<4096x12800xf32, #tpu.memory_space<hbm>> -> memref<2x12800xf32, #tpu.memory_space<hbm>>
    %dma_wait3A_357 = arith.constant 0 : i32
    %dma_wait3A_358 = tpu.memref_slice %arg3[%add3A_153, %dma_wait3A_357] : memref<4096x12800xf32, #tpu.memory_space<hbm>> -> memref<2x12800xf32, #tpu.memory_space<hbm>>
    tpu.wait_dma2 semaphore(%arg6 : memref<!tpu.dma_semaphore, #tpu.memory_space<semaphore_mem>>) src(%arg4 : memref<2x12800xf32, #tpu.memory_space<vmem>>) dst(%dma_wait3A_358 : memref<2x12800xf32, #tpu.memory_space<hbm>>)
    %dma_wait3A_359 = arith.constant 0 : i32
    %dma_wait3A_360 = tpu.memref_slice %arg3[%add3A_159, %dma_wait3A_359] : memref<4096x12800xf32, #tpu.memory_space<hbm>> -> memref<2x12800xf32, #tpu.memory_space<hbm>>
    %dma_wait3A_361 = arith.constant 0 : i32
    %dma_wait3A_362 = tpu.memref_slice %arg3[%add3A_159, %dma_wait3A_361] : memref<4096x12800xf32, #tpu.memory_space<hbm>> -> memref<2x12800xf32, #tpu.memory_space<hbm>>
    tpu.wait_dma2 semaphore(%arg6 : memref<!tpu.dma_semaphore, #tpu.memory_space<semaphore_mem>>) src(%arg4 : memref<2x12800xf32, #tpu.memory_space<vmem>>) dst(%dma_wait3A_362 : memref<2x12800xf32, #tpu.memory_space<hbm>>)
    %dma_wait3A_363 = arith.constant 0 : i32
    %dma_wait3A_364 = tpu.memref_slice %arg3[%add3A_165, %dma_wait3A_363] : memref<4096x12800xf32, #tpu.memory_space<hbm>> -> memref<2x12800xf32, #tpu.memory_space<hbm>>
    %dma_wait3A_365 = arith.constant 0 : i32
    %dma_wait3A_366 = tpu.memref_slice %arg3[%add3A_165, %dma_wait3A_365] : memref<4096x12800xf32, #tpu.memory_space<hbm>> -> memref<2x12800xf32, #tpu.memory_space<hbm>>
    tpu.wait_dma2 semaphore(%arg6 : memref<!tpu.dma_semaphore, #tpu.memory_space<semaphore_mem>>) src(%arg4 : memref<2x12800xf32, #tpu.memory_space<vmem>>) dst(%dma_wait3A_366 : memref<2x12800xf32, #tpu.memory_space<hbm>>)
    %dma_wait3A_367 = arith.constant 0 : i32
    %dma_wait3A_368 = tpu.memref_slice %arg3[%add3A_171, %dma_wait3A_367] : memref<4096x12800xf32, #tpu.memory_space<hbm>> -> memref<2x12800xf32, #tpu.memory_space<hbm>>
    %dma_wait3A_369 = arith.constant 0 : i32
    %dma_wait3A_370 = tpu.memref_slice %arg3[%add3A_171, %dma_wait3A_369] : memref<4096x12800xf32, #tpu.memory_space<hbm>> -> memref<2x12800xf32, #tpu.memory_space<hbm>>
    tpu.wait_dma2 semaphore(%arg6 : memref<!tpu.dma_semaphore, #tpu.memory_space<semaphore_mem>>) src(%arg4 : memref<2x12800xf32, #tpu.memory_space<vmem>>) dst(%dma_wait3A_370 : memref<2x12800xf32, #tpu.memory_space<hbm>>)
    %dma_wait3A_371 = arith.constant 0 : i32
    %dma_wait3A_372 = tpu.memref_slice %arg3[%add3A_177, %dma_wait3A_371] : memref<4096x12800xf32, #tpu.memory_space<hbm>> -> memref<2x12800xf32, #tpu.memory_space<hbm>>
    %dma_wait3A_373 = arith.constant 0 : i32
    %dma_wait3A_374 = tpu.memref_slice %arg3[%add3A_177, %dma_wait3A_373] : memref<4096x12800xf32, #tpu.memory_space<hbm>> -> memref<2x12800xf32, #tpu.memory_space<hbm>>
    tpu.wait_dma2 semaphore(%arg6 : memref<!tpu.dma_semaphore, #tpu.memory_space<semaphore_mem>>) src(%arg4 : memref<2x12800xf32, #tpu.memory_space<vmem>>) dst(%dma_wait3A_374 : memref<2x12800xf32, #tpu.memory_space<hbm>>)
    %dma_wait3A_375 = arith.constant 0 : i32
    %dma_wait3A_376 = tpu.memref_slice %arg3[%add3A_183, %dma_wait3A_375] : memref<4096x12800xf32, #tpu.memory_space<hbm>> -> memref<2x12800xf32, #tpu.memory_space<hbm>>
    %dma_wait3A_377 = arith.constant 0 : i32
    %dma_wait3A_378 = tpu.memref_slice %arg3[%add3A_183, %dma_wait3A_377] : memref<4096x12800xf32, #tpu.memory_space<hbm>> -> memref<2x12800xf32, #tpu.memory_space<hbm>>
    tpu.wait_dma2 semaphore(%arg6 : memref<!tpu.dma_semaphore, #tpu.memory_space<semaphore_mem>>) src(%arg4 : memref<2x12800xf32, #tpu.memory_space<vmem>>) dst(%dma_wait3A_378 : memref<2x12800xf32, #tpu.memory_space<hbm>>)
    %dma_wait3A_379 = arith.constant 0 : i32
    %dma_wait3A_380 = tpu.memref_slice %arg3[%add3A_189, %dma_wait3A_379] : memref<4096x12800xf32, #tpu.memory_space<hbm>> -> memref<2x12800xf32, #tpu.memory_space<hbm>>
    %dma_wait3A_381 = arith.constant 0 : i32
    %dma_wait3A_382 = tpu.memref_slice %arg3[%add3A_189, %dma_wait3A_381] : memref<4096x12800xf32, #tpu.memory_space<hbm>> -> memref<2x12800xf32, #tpu.memory_space<hbm>>
    tpu.wait_dma2 semaphore(%arg6 : memref<!tpu.dma_semaphore, #tpu.memory_space<semaphore_mem>>) src(%arg4 : memref<2x12800xf32, #tpu.memory_space<vmem>>) dst(%dma_wait3A_382 : memref<2x12800xf32, #tpu.memory_space<hbm>>)
    %dma_wait3A_383 = arith.constant 0 : i32
    %dma_wait3A_384 = tpu.memref_slice %arg3[%add3A_195, %dma_wait3A_383] : memref<4096x12800xf32, #tpu.memory_space<hbm>> -> memref<2x12800xf32, #tpu.memory_space<hbm>>
    %dma_wait3A_385 = arith.constant 0 : i32
    %dma_wait3A_386 = tpu.memref_slice %arg3[%add3A_195, %dma_wait3A_385] : memref<4096x12800xf32, #tpu.memory_space<hbm>> -> memref<2x12800xf32, #tpu.memory_space<hbm>>
    tpu.wait_dma2 semaphore(%arg6 : memref<!tpu.dma_semaphore, #tpu.memory_space<semaphore_mem>>) src(%arg4 : memref<2x12800xf32, #tpu.memory_space<vmem>>) dst(%dma_wait3A_386 : memref<2x12800xf32, #tpu.memory_space<hbm>>)
    %dma_wait3A_387 = arith.constant 0 : i32
    %dma_wait3A_388 = tpu.memref_slice %arg3[%add3A_201, %dma_wait3A_387] : memref<4096x12800xf32, #tpu.memory_space<hbm>> -> memref<2x12800xf32, #tpu.memory_space<hbm>>
    %dma_wait3A_389 = arith.constant 0 : i32
    %dma_wait3A_390 = tpu.memref_slice %arg3[%add3A_201, %dma_wait3A_389] : memref<4096x12800xf32, #tpu.memory_space<hbm>> -> memref<2x12800xf32, #tpu.memory_space<hbm>>
    tpu.wait_dma2 semaphore(%arg6 : memref<!tpu.dma_semaphore, #tpu.memory_space<semaphore_mem>>) src(%arg4 : memref<2x12800xf32, #tpu.memory_space<vmem>>) dst(%dma_wait3A_390 : memref<2x12800xf32, #tpu.memory_space<hbm>>)
    %dma_wait3A_391 = arith.constant 0 : i32
    %dma_wait3A_392 = tpu.memref_slice %arg3[%add3A_207, %dma_wait3A_391] : memref<4096x12800xf32, #tpu.memory_space<hbm>> -> memref<2x12800xf32, #tpu.memory_space<hbm>>
    %dma_wait3A_393 = arith.constant 0 : i32
    %dma_wait3A_394 = tpu.memref_slice %arg3[%add3A_207, %dma_wait3A_393] : memref<4096x12800xf32, #tpu.memory_space<hbm>> -> memref<2x12800xf32, #tpu.memory_space<hbm>>
    tpu.wait_dma2 semaphore(%arg6 : memref<!tpu.dma_semaphore, #tpu.memory_space<semaphore_mem>>) src(%arg4 : memref<2x12800xf32, #tpu.memory_space<vmem>>) dst(%dma_wait3A_394 : memref<2x12800xf32, #tpu.memory_space<hbm>>)
    %dma_wait3A_395 = arith.constant 0 : i32
    %dma_wait3A_396 = tpu.memref_slice %arg3[%add3A_213, %dma_wait3A_395] : memref<4096x12800xf32, #tpu.memory_space<hbm>> -> memref<2x12800xf32, #tpu.memory_space<hbm>>
    %dma_wait3A_397 = arith.constant 0 : i32
    %dma_wait3A_398 = tpu.memref_slice %arg3[%add3A_213, %dma_wait3A_397] : memref<4096x12800xf32, #tpu.memory_space<hbm>> -> memref<2x12800xf32, #tpu.memory_space<hbm>>
    tpu.wait_dma2 semaphore(%arg6 : memref<!tpu.dma_semaphore, #tpu.memory_space<semaphore_mem>>) src(%arg4 : memref<2x12800xf32, #tpu.memory_space<vmem>>) dst(%dma_wait3A_398 : memref<2x12800xf32, #tpu.memory_space<hbm>>)
    %dma_wait3A_399 = arith.constant 0 : i32
    %dma_wait3A_400 = tpu.memref_slice %arg3[%add3A_219, %dma_wait3A_399] : memref<4096x12800xf32, #tpu.memory_space<hbm>> -> memref<2x12800xf32, #tpu.memory_space<hbm>>
    %dma_wait3A_401 = arith.constant 0 : i32
    %dma_wait3A_402 = tpu.memref_slice %arg3[%add3A_219, %dma_wait3A_401] : memref<4096x12800xf32, #tpu.memory_space<hbm>> -> memref<2x12800xf32, #tpu.memory_space<hbm>>
    tpu.wait_dma2 semaphore(%arg6 : memref<!tpu.dma_semaphore, #tpu.memory_space<semaphore_mem>>) src(%arg4 : memref<2x12800xf32, #tpu.memory_space<vmem>>) dst(%dma_wait3A_402 : memref<2x12800xf32, #tpu.memory_space<hbm>>)
    %dma_wait3A_403 = arith.constant 0 : i32
    %dma_wait3A_404 = tpu.memref_slice %arg3[%add3A_225, %dma_wait3A_403] : memref<4096x12800xf32, #tpu.memory_space<hbm>> -> memref<2x12800xf32, #tpu.memory_space<hbm>>
    %dma_wait3A_405 = arith.constant 0 : i32
    %dma_wait3A_406 = tpu.memref_slice %arg3[%add3A_225, %dma_wait3A_405] : memref<4096x12800xf32, #tpu.memory_space<hbm>> -> memref<2x12800xf32, #tpu.memory_space<hbm>>
    tpu.wait_dma2 semaphore(%arg6 : memref<!tpu.dma_semaphore, #tpu.memory_space<semaphore_mem>>) src(%arg4 : memref<2x12800xf32, #tpu.memory_space<vmem>>) dst(%dma_wait3A_406 : memref<2x12800xf32, #tpu.memory_space<hbm>>)
    %dma_wait3A_407 = arith.constant 0 : i32
    %dma_wait3A_408 = tpu.memref_slice %arg3[%add3A_231, %dma_wait3A_407] : memref<4096x12800xf32, #tpu.memory_space<hbm>> -> memref<2x12800xf32, #tpu.memory_space<hbm>>
    %dma_wait3A_409 = arith.constant 0 : i32
    %dma_wait3A_410 = tpu.memref_slice %arg3[%add3A_231, %dma_wait3A_409] : memref<4096x12800xf32, #tpu.memory_space<hbm>> -> memref<2x12800xf32, #tpu.memory_space<hbm>>
    tpu.wait_dma2 semaphore(%arg6 : memref<!tpu.dma_semaphore, #tpu.memory_space<semaphore_mem>>) src(%arg4 : memref<2x12800xf32, #tpu.memory_space<vmem>>) dst(%dma_wait3A_410 : memref<2x12800xf32, #tpu.memory_space<hbm>>)
    %dma_wait3A_411 = arith.constant 0 : i32
    %dma_wait3A_412 = tpu.memref_slice %arg3[%add3A_237, %dma_wait3A_411] : memref<4096x12800xf32, #tpu.memory_space<hbm>> -> memref<2x12800xf32, #tpu.memory_space<hbm>>
    %dma_wait3A_413 = arith.constant 0 : i32
    %dma_wait3A_414 = tpu.memref_slice %arg3[%add3A_237, %dma_wait3A_413] : memref<4096x12800xf32, #tpu.memory_space<hbm>> -> memref<2x12800xf32, #tpu.memory_space<hbm>>
    tpu.wait_dma2 semaphore(%arg6 : memref<!tpu.dma_semaphore, #tpu.memory_space<semaphore_mem>>) src(%arg4 : memref<2x12800xf32, #tpu.memory_space<vmem>>) dst(%dma_wait3A_414 : memref<2x12800xf32, #tpu.memory_space<hbm>>)
    %dma_wait3A_415 = arith.constant 0 : i32
    %dma_wait3A_416 = tpu.memref_slice %arg3[%add3A_243, %dma_wait3A_415] : memref<4096x12800xf32, #tpu.memory_space<hbm>> -> memref<2x12800xf32, #tpu.memory_space<hbm>>
    %dma_wait3A_417 = arith.constant 0 : i32
    %dma_wait3A_418 = tpu.memref_slice %arg3[%add3A_243, %dma_wait3A_417] : memref<4096x12800xf32, #tpu.memory_space<hbm>> -> memref<2x12800xf32, #tpu.memory_space<hbm>>
    tpu.wait_dma2 semaphore(%arg6 : memref<!tpu.dma_semaphore, #tpu.memory_space<semaphore_mem>>) src(%arg4 : memref<2x12800xf32, #tpu.memory_space<vmem>>) dst(%dma_wait3A_418 : memref<2x12800xf32, #tpu.memory_space<hbm>>)
    %dma_wait3A_419 = arith.constant 0 : i32
    %dma_wait3A_420 = tpu.memref_slice %arg3[%add3A_249, %dma_wait3A_419] : memref<4096x12800xf32, #tpu.memory_space<hbm>> -> memref<2x12800xf32, #tpu.memory_space<hbm>>
    %dma_wait3A_421 = arith.constant 0 : i32
    %dma_wait3A_422 = tpu.memref_slice %arg3[%add3A_249, %dma_wait3A_421] : memref<4096x12800xf32, #tpu.memory_space<hbm>> -> memref<2x12800xf32, #tpu.memory_space<hbm>>
    tpu.wait_dma2 semaphore(%arg6 : memref<!tpu.dma_semaphore, #tpu.memory_space<semaphore_mem>>) src(%arg4 : memref<2x12800xf32, #tpu.memory_space<vmem>>) dst(%dma_wait3A_422 : memref<2x12800xf32, #tpu.memory_space<hbm>>)
    %dma_wait3A_423 = arith.constant 0 : i32
    %dma_wait3A_424 = tpu.memref_slice %arg3[%add3A_255, %dma_wait3A_423] : memref<4096x12800xf32, #tpu.memory_space<hbm>> -> memref<2x12800xf32, #tpu.memory_space<hbm>>
    %dma_wait3A_425 = arith.constant 0 : i32
    %dma_wait3A_426 = tpu.memref_slice %arg3[%add3A_255, %dma_wait3A_425] : memref<4096x12800xf32, #tpu.memory_space<hbm>> -> memref<2x12800xf32, #tpu.memory_space<hbm>>
    tpu.wait_dma2 semaphore(%arg6 : memref<!tpu.dma_semaphore, #tpu.memory_space<semaphore_mem>>) src(%arg4 : memref<2x12800xf32, #tpu.memory_space<vmem>>) dst(%dma_wait3A_426 : memref<2x12800xf32, #tpu.memory_space<hbm>>)
    %dma_wait3A_427 = arith.constant 0 : i32
    %dma_wait3A_428 = tpu.memref_slice %arg3[%add3A_261, %dma_wait3A_427] : memref<4096x12800xf32, #tpu.memory_space<hbm>> -> memref<2x12800xf32, #tpu.memory_space<hbm>>
    %dma_wait3A_429 = arith.constant 0 : i32
    %dma_wait3A_430 = tpu.memref_slice %arg3[%add3A_261, %dma_wait3A_429] : memref<4096x12800xf32, #tpu.memory_space<hbm>> -> memref<2x12800xf32, #tpu.memory_space<hbm>>
    tpu.wait_dma2 semaphore(%arg6 : memref<!tpu.dma_semaphore, #tpu.memory_space<semaphore_mem>>) src(%arg4 : memref<2x12800xf32, #tpu.memory_space<vmem>>) dst(%dma_wait3A_430 : memref<2x12800xf32, #tpu.memory_space<hbm>>)
    return
  }
}

</mosaic_0001>

<sc_bundles>
// kernel: kernel.3.cloned.1.call-start
scs
__scs_entry_jumppad:
0x0: {  	(pc) =	sbr.rel $0x88, $3  }
0x1: {  	(tag) =	ssettag $0x0;
	lr =	simm.s32 $0x1  }
0x2: {  	[smem:$0x3FA0] =	sst lr;
	_ =	strace $0xD0000000  }
0x3: {  	_ = 	snop  }
0x4: {  	_ = 	snop  }
0x5: {  	_ = 	snop  }
0x6: {  	_ = 	snop  }
0x7: {  	_ = 	snop  }
__scs_overlays_trampoline_lowered:
0x8: {  	[smem:$0x3FAF] =	sst s0  }
0x9: {  	[smem:$0x3FB0] =	sst s1  }
0xa: {  	[smem:$0x3FB1] =	sst s2  }
0xb: {  	[smem:$0x3FB2] =	sst s3  }
0xc: {  	[smem:$0x3FB3] =	sst s4  }
0xd: {  	[smem:$0x3FB4] =	sst s5  }
0xe: {  	[smem:$0x3FB5] =	sst s6  }
0xf: {  	[smem:$0x3FB6] =	sst s7  }
0x10: {  	[smem:$0x3FB7] =	sst s8  }
0x11: {  	[smem:$0x3FB8] =	sst s9;
	s0 =	simm.s32 @!p0 $0x0  }
0x12: {  	s1 =	sld [smem:$0x3F9E];
	s0 =	simm.s32 @p0 $0x1  }
0x13: {  	[smem:$0x3FB9] =	sst s0;
	s0 =	simm.s32 @!p1 $0x0  }
0x14: {  	s2 =	sld [smem:$0x3F9D];
	s0 =	simm.s32 @p1 $0x1  }
0x15: {  	[smem:$0x3FBA] =	sst s0;
	s0 =	simm.s32 @!p2 $0x0  }
0x16: {  	s3 =	sld [smem:$0x3FDB];
	s0 =	simm.s32 @p2 $0x1  }
0x17: {  	s4 =	simm.s32 $0x1BF5;
	[smem:$0x3FBC] =	sst s0  }
0x18: {  	s0 =	sld [smem:$0x3F9F];
	_ =	swait.ge [sflag:s4], $0x0  }
0x19: {  	s7 =	sld [smem:$0x3FA0]  }
0x1a: {  	s8 =	sadd.s32 $0xFFFFE003, lr  }
0x1b: {  	s9 =	sadd.s32 $0xFFFFFEF7, lr;
	s5 =	simm.s32 $0xFFFFFFFF;
	p2 =	slt.u32 s8, $0xFFFFF086  }
0x1c: {  	p1 =	slt.u32 s9, $0xF7A;
	s5 =	simm.s32 @!p2 $0x0  }
0x1d: {  	s5 =	simm.s32 @p1 $0x1;
	p0 =	seq.s32 s7, s2  }
0x1e: {  	s7 =	smul.u32 @!p0 $0xF7A, s2;
	p2 =	seq.s32 @!p0 s5, $0x0  }
0x1f: {  	s9 =	smul.u32 $0xF7A, s1;
	s8 =	simm.s32 @!p0 $0x1BF5;
	p2 =	por !p2, p0  }
0x20: {  	[sflag:s8] =	ssyncset.s32 @!p0 $0xFFFFF086;
	s6 =	sadd.s32 @!p0 s3, s7;
	s7 =	simm.s32 @!p0 $0x108  }
0x21: {  	s3 =	sadd.s32 s3, s9;
	s6 =	sadd.s32 @!p0 $0x88, s6;
	s7 =	simm.s32 @p2 $0x1082  }
0x22: {  	[simem:s7], [sflag:s8] =	dma.local @!p0 [hbm:s6], $0xF7A  }
0x23: {  	s9 =	sor.u32 $0xD0000000, s2;
	s6 =	simm.s32 $0x108;
	_ =	swait.ge @!p0 [sflag:s8], $0x0  }
0x24: {  	s3 =	sadd.s32 $0x88, s3;
	s6 =	simm.s32 @!p1 $0x1082;
	[sflag:s4] =	ssyncset.s32 $0xFFFFF086  }
0x25: {  	[simem:s6], [sflag:s4] =	dma.local [hbm:s3], $0xF7A  }
0x26: {  	[smem:$0x3FA0] =	sst s1;
	(tag) =	ssettag s2;
	_ =	strace s9  }
0x27: {  	s1 =	sld [smem:$0x3FB0]  }
0x28: {  	s2 =	sld [smem:$0x3FB1]  }
0x29: {  	s4 =	sld [smem:$0x3FB3]  }
0x2a: {  	p0 =	seq.s32 s5, $0x0;
	s5 =	sld [smem:$0x3FB4]  }
0x2b: {  	s6 =	sld [smem:$0x3FB5]  }
0x2c: {  	s7 =	sld [smem:$0x3FB6]  }
0x2d: {  	s3 =	simm.s32 $0x108;
	s8 =	sld [smem:$0x3FB7]  }
0x2e: {  	s3 =	simm.s32 @!p0 $0x1082;
	s9 =	sld [smem:$0x3FB8]  }
0x2f: {  	lr =	sadd.s32 s0, s3;
	s0 =	sld [smem:$0x3FAF]  }
0x30: {  	s3 =	sld [smem:$0x3FB2]  }
0x31: {  	[smem:$0x3FBB] =	sst s10  }
0x32: {  	s10 =	sld [smem:$0x3FB9];
	_ =	sdelay $0x3  }
0x33: {  	p0 =	seq.s32 s10, $0x1;
	s10 =	sld [smem:$0x3FBB];
	_ =	sdelay $0x3  }
0x34: {  	[smem:$0x3FBB] =	sst s10  }
0x35: {  	s10 =	sld [smem:$0x3FBA];
	_ =	sdelay $0x3  }
0x36: {  	p1 =	seq.s32 s10, $0x1;
	s10 =	sld [smem:$0x3FBB];
	_ =	sdelay $0x3  }
0x37: {  	[smem:$0x3FBB] =	sst s10  }
0x38: {  	s10 =	sld [smem:$0x3FBC]  }
0x39: {  	_ = 	snop;
	(pc) =	sbr.ind lr, $3  }
0x3a: {  	_ = 	snop  }
0x3b: {  	_ = 	snop  }
0x3c: {  	p2 =	seq.s32 s10, $0x1;
	s10 =	sld [smem:$0x3FBB]  }
0x3d: {  	_ =	shalt  }
0x3e: {  	_ =	shalt  }
0x3f: {  	_ =	shalt  }
0x40: {  	_ =	shalt  }
0x41: {  	_ =	shalt  }
0x42: {  	_ =	shalt  }
0x43: {  	_ =	shalt  }
0x44: {  	_ =	shalt  }
0x45: {  	_ =	shalt  }
0x46: {  	_ =	shalt  }
0x47: {  	_ =	shalt  }
0x48: {  	_ =	shalt  }
0x49: {  	_ =	shalt  }
0x4a: {  	_ =	shalt  }
0x4b: {  	_ =	shalt  }
0x4c: {  	_ =	shalt  }
0x4d: {  	_ =	shalt  }
0x4e: {  	_ =	shalt  }
0x4f: {  	_ =	shalt  }
0x50: {  	_ =	shalt  }
0x51: {  	_ =	shalt  }
0x52: {  	_ =	shalt  }
0x53: {  	_ =	shalt  }
0x54: {  	_ =	shalt  }
0x55: {  	_ =	shalt  }
0x56: {  	_ =	shalt  }
0x57: {  	_ =	shalt  }
0x58: {  	_ =	shalt  }
0x59: {  	_ =	shalt  }
0x5a: {  	_ =	shalt  }
0x5b: {  	_ =	shalt  }
0x5c: {  	_ =	shalt  }
0x5d: {  	_ =	shalt  }
0x5e: {  	_ =	shalt  }
0x5f: {  	_ =	shalt  }
0x60: {  	_ =	shalt  }
0x61: {  	_ =	shalt  }
0x62: {  	_ =	shalt  }
0x63: {  	_ =	shalt  }
0x64: {  	_ =	shalt  }
0x65: {  	_ =	shalt  }
0x66: {  	_ =	shalt  }
0x67: {  	_ =	shalt  }
0x68: {  	_ =	shalt  }
0x69: {  	_ =	shalt  }
0x6a: {  	_ =	shalt  }
0x6b: {  	_ =	shalt  }
0x6c: {  	_ =	shalt  }
0x6d: {  	_ =	shalt  }
0x6e: {  	_ =	shalt  }
0x6f: {  	_ =	shalt  }
0x70: {  	_ =	shalt  }
0x71: {  	_ =	shalt  }
0x72: {  	_ =	shalt  }
0x73: {  	_ =	shalt  }
0x74: {  	_ =	shalt  }
0x75: {  	_ =	shalt  }
0x76: {  	_ =	shalt  }
0x77: {  	_ =	shalt  }
0x78: {  	_ =	shalt  }
0x79: {  	_ =	shalt  }
0x7a: {  	_ =	shalt  }
0x7b: {  	_ =	shalt  }
0x7c: {  	_ =	shalt  }
0x7d: {  	_ =	shalt  }
0x7e: {  	_ =	shalt  }
0x7f: {  	_ =	shalt  }
0x80: {  	_ =	shalt  }
0x81: {  	_ =	shalt  }
0x82: {  	_ =	shalt  }
0x83: {  	_ =	shalt  }
0x84: {  	_ =	shalt  }
0x85: {  	_ =	shalt  }
0x86: {  	_ =	shalt  }
0x87: {  	_ =	shalt  }
.Lfunc_end0:
.L_simem_size_0:
called_computation_lowered:
.L_overlay_start_0:
0x88: {  	s2 =	sld [smem:$0x3FD9]  }
0x89: {  	s3 =	sld [smem:$0x3FFE];
	_ =	sdelay $0x1  }
0x8a: {  	s1 =	srdreg.scid  }
0x8b: {  	s0 =	sand.u32 $0x1, s1  }
0x8c: {  	s17 =	sshll.u32 s0, $0xA;
	s2 =	sadd.s32 s3, s2  }
0x8d: {  	s2 =	sadd.s32 s2, s17  }
0x8e: {  	[smem:$0x3FC7] =	sst s2  }
0x8f: {  	_ = 	snop  }
0x90: {  	s2 =	sld [smem:$0x3FD0];
	(tm) =	ssettm $0x1  }
0x91: {  	s18 =	sld [smem:$0x3FFB];
	_ =	sdelay $0x3  }
0x92: {  	_ =	strace s18  }
0x93: {  	s3 =	sld [smem:$0x3FFC];
	_ =	sdelay $0x3  }
0x94: {  	_ =	strace s3  }
0x95: {  	s3 =	sld [smem:$0x3FFD];
	_ =	sdelay $0x3  }
0x96: {  	_ =	strace s3  }
0x97: {  	_ =	strace $0x8FFFFFFF  }
0x98: {  	s19 =	sld [smem:$0x3FDB];
	_ =	sdelay $0x1  }
0x99: {  	s4 =	simm.s32 $_scs_section_size  }
0x9a: {  	s5 =	simm.s32 $_size__tile_overlayer_lowered;
	s6 =	simm.s32 $_tile_overlayer_lowered  }
0x9b: {  	s22 =	simm.s32 $0x1BFF;
	s21 =	sshll.u32 s6, $0x1;
	s3 =	sadd.s32 s4, s19  }
0x9c: {  	s7 =	simm.s32 $0x0;
	s20 =	sshll.u32 s5, $0x1;
	s5 =	sadd.s32 s21, s3  }
0x9d: {  	[timem:s7], [sflag:s22] =	dma.local [hbm:s5], s20  }
0x9e: {  	_ =	swait.ge [sflag:s22], s20  }
0x9f: {  	s4 =	ssub.s32 $0x0, s20;
	[sflag:s22] =	ssyncset.done $0x0  }
0xa0: {  	[sflag:s22] =	ssyncadd.s32 s4;
	_ =	sdelay $0x1  }
0xa1: {  	s23 =	simm.s32 $0x1B8B  }
0xa2: {  	_ =	swait.ge [sflag:s23], $0x1  }
0xa3: {  	[sflag:s23] =	ssyncset.done $0x0  }
0xa4: {  	s25 =	simm.s32 $0x1B8E;
	s24 =	sld [smem:$0x3FFE];
	[sflag:s23] =	ssyncadd.s32 $0xFFFFFFFF  }
0xa5: {  	s26 =	simm.s32 $execute0_lowered;
	[smem:$0x3FD2] =	sst s25  }
0xa6: {  	s5 =	sshll.u32 s26, $0x1;
	_ =	strace $0x80000046;
	[dreg:$0x1] =	wrdreg $0xFFFFFFFF  }
0xa7: {  	s28 =	simm.s32 $_size_execute0_lowered;
	s3 =	sadd.s32 s3, s5;
	[dreg:$0x0] =	wrdreg $0x0  }
0xa8: {  	s5 =	sshll.u32 s28, $0x1;
	[dreg:$0x2] =	wrdreg s3  }
0xa9: {  	[dreg:$0x3] =	wrdreg s5  }
0xaa: {  	[dreg:$0x4] =	wrdreg $0xC0  }
0xab: {  	_ =	task [dreg:s7], $0x5FFFF  }
0xac: {  	[dreg:$0x1] =	wrdreg $0xFFFFFFFF  }
0xad: {  	[dreg:$0x0] =	wrdreg $0x60  }
0xae: {  	[dreg:$0x2] =	wrdreg s2  }
0xaf: {  	[dreg:$0x3] =	wrdreg s24  }
0xb0: {  	[dreg:$0x4] =	wrdreg $0x64000  }
0xb1: {  	[dreg:$0x5] =	wrdreg $0x9  }
0xb2: {  	_ =	task.clear_ibuf [dreg:s7], $0x6FFFF;
	_ =	strace $0x90000046  }
0xb3: {  	s29 =	simm.s32 $0x9;
	_ =	strace $0x80000048  }
0xb4: {  	_ =	swait.ge [sflag:s29], $0x1  }
0xb5: {  	[sflag:s29] =	ssyncadd.s32 $0xFFFFFFFF  }
0xb6: {  	_ =	strace $0x90000048  }
0xb7: {  	_ =	sfence  }
0xb8: {  	s30 =	sld [smem:$0x0];
	_ =	sdelay $0x2  }
0xb9: {  	s31 =	sshll.u32 s1, $0xD;
	s1 =	sshrl.u32 s1, $0x2  }
0xba: {  	s3 =	sand.u32 $0x4000, s31;
	s1 =	sadd.s32 s1, s30  }
0xbb: {  	s0 =	sor.u32 s3, s0;
	s1 =	sshll.u32 s1, $0x11  }
0xbc: {  	s0 =	sor.u32 s1, s0  }
0xbd: {  	s0 =	sadd.s32 $0x8F2B, s0  }
0xbe: {  	[sflag:s0] =	ssyncadd.remote.s32 $0x1  }
0xbf: {  	_ =	sfence.sel $0xFFFF  }
0xc0: {  	[dreg:$0x0] =	wrdreg $0xFFFFFFFF;
	(pc) =	sbr.abs _section_cstart, $3  }
0xc1: {  	[dreg:$0x1] =	wrdreg $0xFFFFFFFF  }
0xc2: {  	_ =	task.clear_ibuf [dreg:s7], $0x2FFFF;
	_ =	strace $0x9FFFFFFF  }
0xc3: {  	(tm) =	ssettm $0x7FFFFFFF  }
tec
execute0_lowered:
.L_overlay_start_1:
0x0: {  	(tag) =	ssettag $0x1  }
0x1: {  	s0 =	rddreg [dreg:$0x1]  }
0x2: {  	s10 =	rddreg [dreg:$0x2];
	s2 =	simm.s32 $0x0;
	s1 =	srdreg.scid  }
0x3: {  	s8 =	stileid.u32;
	[smem:$0x7FF] =	sst s2;
	s3 =	sadd.s32 $0x400, s0  }
0x4: {  	s1 =	sand.u32 $0x1, s1;
	s4 =	sshrl.u32 s8, $0x3;
	s5 =	smul.u32 $0x30, s8  }
0x5: {  	s7 =	sshll.u32 s8, $0x7;
	s8 =	smul.u32 $0x50, s8;
	s11 =	sadd.s32 $0x460, s0  }
0x6: {  	s6 =	ssub.s32 $0x2, s1;
	s4 =	smul.u32 $0x64000, s4;
	s1 =	sshll.u32 s1, $0xB  }
0x7: {  	s7 =	sand.u32 $0x380, s7;
	s5 =	sor.u32 s1, s5;
	s9 =	sshrl.u32 s6, $0x1  }
0x8: {  	s1 =	sor.u32 s8, s1;
	s5 =	sadd.s32 $0x500, s5;
	s4 =	sshrl.u32 s4, $0x2  }
0x9: {  	s15 =	ssub.s32 s6, s9;
	s9 =	sadd.s32 $0x420, s0;
	s6 =	sadd.s32 $0x18, s1  }
0xa: {  	s4 =	sadd.s32 s4, s10;
	s10 =	sadd.s32 $0x440, s0;
	s0 =	sshrl.u32 s6, $0x3  }
0xb: {  	s8 =	sshrl.u32 s1, $0x3;
	s21 =	sadd.s32 $0x28, s1;
	s0 =	smul.u32 $0x3200, s0  }
0xc: {  	s5 =	sshrl.u32 s5, $0x3;
	s29 =	smul.u32 $0x19000, s8;
	s15 =	smax.u32 s15, $0x1  }
0xd: {  	s5 =	smul.u32 $0x3200, s5;
	s16 =	sadd.s32 s7, s4;
	s19 =	sadd.s32 s3, s0  }
0xe: {  	s4 =	smul.u32 $0x3200, s8;
	s20 =	sadd.s32 s0, s9;
	[dreg:$0x8] =	wrdreg s19  }
0xf: {  	s16 =	sshrl.u32 s16, $0x3;
	s22 =	sadd.s32 s0, s10;
	[dreg:$0x9] =	wrdreg s20  }
0x10: {  	s7 =	sadd.s32 $0x6400, s4;
	s0 =	sadd.s32 s0, s11;
	[dreg:$0xa] =	wrdreg s22  }
0x11: {  	s18 =	sadd.s32 s3, s5;
	s8 =	sadd.s32 s3, s7;
	[dreg:$0xb] =	wrdreg s0  }
0x12: {  	s5 =	sshrl.u32 s29, $0x3;
	s12 =	sadd.s32 s7, s9;
	[dreg:$0x4] =	wrdreg s8  }
0x13: {  	s23 =	sadd.s32 $0xC800, s4;
	s13 =	sadd.s32 s7, s10;
	[dreg:$0x5] =	wrdreg s12  }
0x14: {  	s29 =	sadd.s32 $0x38, s1;
	s17 =	sadd.s32 s7, s11;
	[dreg:$0x6] =	wrdreg s13  }
0x15: {  	s1 =	sadd.s32 $0x48, s1;
	s24 =	sadd.s32 s3, s23;
	[dreg:$0x7] =	wrdreg s17  }
0x16: {  	s31 =	sadd.s32 s4, s10;
	s26 =	sadd.s32 s23, s9;
	[dreg:$0xc] =	wrdreg s24  }
0x17: {  	s14 =	sadd.s32 s3, s5;
	s28 =	sadd.s32 s23, s10;
	[dreg:$0xd] =	wrdreg s26  }
0x18: {  	s5 =	sshrl.u32 s21, $0x3;
	s6 =	sadd.s32 s23, s11;
	[dreg:$0xe] =	wrdreg s28  }
0x19: {  	s1 =	sshrl.u32 s1, $0x3;
	[dreg:$0xf] =	wrdreg s6;
	s26 =	sadd.s32 s3, s4  }
0x1a: {  	s13 =	sadd.s32 $0x12C00, s4;
	s28 =	sadd.s32 s4, s9;
	[dreg:$0x1c] =	wrdreg s26  }
0x1b: {  	s30 =	smov.u32 s18;
	s19 =	sadd.s32 s3, s13;
	[dreg:$0x1d] =	wrdreg s28  }
0x1c: {  	s25 =	smul.u32 $0x3200, s5;
	s20 =	sadd.s32 s13, s9;
	[dreg:$0x14] =	wrdreg s19  }
0x1d: {  	s5 =	sshrl.u32 s29, $0x3;
	s21 =	sadd.s32 s13, s10;
	[dreg:$0x15] =	wrdreg s20  }
0x1e: {  	s29 =	sadd.s32 $0x19000, s4;
	s22 =	sadd.s32 s13, s11;
	[dreg:$0x16] =	wrdreg s21  }
0x1f: {  	s17 =	smul.u32 $0x3200, s5;
	s7 =	sadd.s32 s3, s25;
	[dreg:$0x17] =	wrdreg s22  }
0x20: {  	s5 =	sadd.s32 s29, s10;
	s8 =	sadd.s32 s25, s9;
	[dreg:$0x10] =	wrdreg s7  }
0x21: {  	s6 =	sadd.s32 s29, s11;
	s12 =	sadd.s32 s25, s10;
	[dreg:$0x11] =	wrdreg s8  }
0x22: {  	s13 =	sadd.s32 $0x3240, s14;
	s0 =	sadd.s32 s25, s11;
	[dreg:$0x12] =	wrdreg s12  }
0x23: {  	s19 =	simm.s32 $0x3;
	s20 =	simm.s32 $0x1;
	[dreg:$0x13] =	wrdreg s0  }
0x24: {  	s21 =	simm.s32 $0x100;
	s23 =	sadd.s32 s3, s17;
	s8 =	rddreg [dreg:$0x0]  }
0x25: {  	s22 =	simm.s32 $0x400;
	s24 =	sadd.s32 s17, s9;
	[dreg:$0x18] =	wrdreg s23  }
0x26: {  	s25 =	sadd.s32 s17, s10;
	s0 =	sadd.s32 s17, s11;
	[dreg:$0x19] =	wrdreg s24  }
0x27: {  	s12 =	smul.u32 $0x3200, s1;
	s1 =	sadd.s32 s3, s29;
	[dreg:$0x1a] =	wrdreg s25  }
0x28: {  	s17 =	sadd.s32 $0x6400, s18;
	s18 =	sadd.s32 $0xC800, s18;
	[dreg:$0x1b] =	wrdreg s0  }
0x29: {  	s0 =	sadd.s32 s4, s11;
	s4 =	sadd.s32 s29, s9;
	s23 =	simm.s32 $0x2  }
0x2a: {  	s24 =	simm.s32 $0x0;
	s7 =	sadd.s32 s3, s12;
	s9 =	sadd.s32 s12, s9  }
0x2b: {  	s10 =	sadd.s32 s12, s10;
	s3 =	sadd.s32 s12, s11;
	_ =	strace $0x80000047  }
0x2c: {  	s11 =	sadd.s32 $0x3200, s14;
	s12 =	sadd.s32 $0x3220, s14;
	s14 =	sadd.s32 $0x3260, s14  }
.LBB2_1:
0x2d: {  	s25 =	simm.s32 $0x10  }
0x2e: {  	s29 =	sadd.s32 $0x0, s8;
	s26 =	simm.s32 $0x100;
	s28 =	simm.s32 $0x0  }
.LBB2_2:
0x2f: {  	[tilespmem:s28], [sflag:$0x3] =	stream.linear.gather [hbm4b:s29+s2], $0x80, $0x38;
	[tilespmem:$0x9600] =	vst v63  }
0x30: {  	s29 =	smov.u32 s25;
	s28 =	smov.u32 s26;
	p0 =	sne.s32 s25, $0x630  }
.Ltmp0:
0x31: {  	s25 =	sadd.s32 $0x10, s25;
	(pc) =	sbr.rel @p0 .LBB2_2-.Ltmp0, $2  }
0x32: {  	_ =	sdelay $0x2  }
0x33: {  	s26 =	sadd.s32 $0x100, s26;
	s29 =	sadd.s32 s29, s8  }
0x34: {  	[tilespmem:s28], [sflag:$0x3] =	stream.linear.gather [hbm4b:s29+s2], $0x80, $0x38;
	[tilespmem:$0x9600] =	vst v63  }
0x35: {  	_ =	swait.ge [sflag:s19], $0x3200  }
0x36: {  	s25 =	simm.s32 $0x80;
	s26 =	simm.s32 $0x10;
	[sflag:s19] =	ssyncset.done $0x0  }
0x37: {  	s29 =	sadd.s32 $0x0, s8;
	s28 =	simm.s32 $0x180;
	[sflag:s19] =	ssyncadd.s32 $0xFFFFCE00  }
.LBB2_4:
0x38: {  	[tilespmem:s25], [sflag:$0x3] =	stream.linear.gather [hbm4b:s29+s2], $0x80, $0x38;
	[tilespmem:$0x9600] =	vst v63  }
0x39: {  	s29 =	smov.u32 s26;
	s25 =	smov.u32 s28;
	p0 =	sne.s32 s26, $0x630  }
.Ltmp1:
0x3a: {  	s26 =	sadd.s32 $0x10, s26;
	(pc) =	sbr.rel @p0 .LBB2_4-.Ltmp1, $2  }
0x3b: {  	_ =	sdelay $0x2  }
0x3c: {  	s28 =	sadd.s32 $0x100, s28;
	s29 =	sadd.s32 s29, s8  }
0x3d: {  	[tilespmem:s25], [sflag:$0x3] =	stream.linear.gather [hbm4b:s29+s2], $0x80, $0x38;
	[tilespmem:$0x9600] =	vst v63  }
0x3e: {  	s26 =	stileid.u32;
	_ =	swait.ge [sflag:s19], $0x3200  }
0x3f: {  	s28 =	simm.s32 $0x80;
	s25 =	sshll.u32 s26, $0x6;
	[sflag:s19] =	ssyncset.done $0x0  }
0x40: {  	s29 =	simm.s32 $0x10;
	s26 =	sor.u32 $0x1C03, s25;
	[sflag:s19] =	ssyncadd.s32 $0xFFFFCE00  }
0x41: {  	[spmem:s16@s28], [sflag:s26] =	dma.strided [hbm:s8@s29], $0x640, s20, $0x10   }
0x42: {  	_ =	swait.ge [sflag:s19], $0x640  }
0x43: {  	[sflag:s19] =	ssyncset.done $0x0  }
0x44: {  	[sflag:s19] =	ssyncadd.s32 $0xFFFFF9C0  }
0x45: {  	[bflag:$0x0] =	sbarrier.arrive $0xFFFF  }
0x46: {  	s28 =	rddreg [dreg:$0x2]  }
0x47: {  	s25 =	sor.u32 $0x1C02, s25;
	s26 =	sshrl.u32 s28, $0x3  }
0x48: {  	[hbm:s30], [sflag:s25] =	dma.local [spmem:s26], $0x6400  }
0x49: {  	[hbm:s17], [sflag:s25] =	dma.local [spmem:s26], $0x6400  }
0x4a: {  	[hbm:s18], [sflag:s25] =	dma.local [spmem:s26], $0x6400  }
0x4b: {  	s25 =	rddreg [dreg:$0x1c]  }
0x4c: {  	[hbm4b:s25+s21] =	stream.strided.scatter [tilespmem:s2], [sflag:$0x1], $0x6400, s22, s21, $0x38;
	[tilespmem:$0x9600] =	vst v63  }
0x4d: {  	s29 =	rddreg [dreg:$0x1d]  }
0x4e: {  	[hbm4b:s29+s21] =	stream.strided.scatter [tilespmem:s2], [sflag:$0x1], $0x6400, s22, s21, $0x38;
	[tilespmem:$0x9600] =	vst v63  }
0x4f: {  	_ = 	snop  }
0x50: {  	[hbm4b:s31+s21] =	stream.strided.scatter [tilespmem:s2], [sflag:$0x1], $0x6400, s22, s21, $0x38;
	[tilespmem:$0x9600] =	vst v63  }
0x51: {  	_ = 	snop  }
0x52: {  	[hbm4b:s0+s21] =	stream.strided.scatter [tilespmem:s2], [sflag:$0x1], $0x6400, s22, s21, $0x38;
	[tilespmem:$0x9600] =	vst v63  }
0x53: {  	_ = 	snop  }
0x54: {  	[hbm4b:s11+s21] =	stream.strided.scatter [tilespmem:s2], [sflag:$0x1], $0x6400, s22, s21, $0x38;
	[tilespmem:$0x9600] =	vst v63  }
0x55: {  	_ = 	snop  }
0x56: {  	[hbm4b:s12+s21] =	stream.strided.scatter [tilespmem:s2], [sflag:$0x1], $0x6400, s22, s21, $0x38;
	[tilespmem:$0x9600] =	vst v63  }
0x57: {  	_ = 	snop  }
0x58: {  	[hbm4b:s13+s21] =	stream.strided.scatter [tilespmem:s2], [sflag:$0x1], $0x6400, s22, s21, $0x38;
	[tilespmem:$0x9600] =	vst v63  }
0x59: {  	_ = 	snop  }
0x5a: {  	[hbm4b:s14+s21] =	stream.strided.scatter [tilespmem:s2], [sflag:$0x1], $0x6400, s22, s21, $0x38;
	[tilespmem:$0x9600] =	vst v63  }
0x5b: {  	s26 =	rddreg [dreg:$0x4]  }
0x5c: {  	[hbm4b:s26+s21] =	stream.strided.scatter [tilespmem:s2], [sflag:$0x1], $0x6400, s22, s21, $0x38;
	[tilespmem:$0x9600] =	vst v63  }
0x5d: {  	s28 =	rddreg [dreg:$0x5]  }
0x5e: {  	[hbm4b:s28+s21] =	stream.strided.scatter [tilespmem:s2], [sflag:$0x1], $0x6400, s22, s21, $0x38;
	[tilespmem:$0x9600] =	vst v63  }
0x5f: {  	s29 =	rddreg [dreg:$0x6]  }
0x60: {  	[hbm4b:s29+s21] =	stream.strided.scatter [tilespmem:s2], [sflag:$0x1], $0x6400, s22, s21, $0x38;
	[tilespmem:$0x9600] =	vst v63  }
0x61: {  	s26 =	rddreg [dreg:$0x7]  }
0x62: {  	[hbm4b:s26+s21] =	stream.strided.scatter [tilespmem:s2], [sflag:$0x1], $0x6400, s22, s21, $0x38;
	[tilespmem:$0x9600] =	vst v63  }
0x63: {  	s28 =	rddreg [dreg:$0x8]  }
0x64: {  	[hbm4b:s28+s21] =	stream.strided.scatter [tilespmem:s2], [sflag:$0x1], $0x6400, s22, s21, $0x38;
	[tilespmem:$0x9600] =	vst v63  }
0x65: {  	s29 =	rddreg [dreg:$0x9]  }
0x66: {  	[hbm4b:s29+s21] =	stream.strided.scatter [tilespmem:s2], [sflag:$0x1], $0x6400, s22, s21, $0x38;
	[tilespmem:$0x9600] =	vst v63  }
0x67: {  	s26 =	rddreg [dreg:$0xa]  }
0x68: {  	[hbm4b:s26+s21] =	stream.strided.scatter [tilespmem:s2], [sflag:$0x1], $0x6400, s22, s21, $0x38;
	[tilespmem:$0x9600] =	vst v63  }
0x69: {  	s28 =	rddreg [dreg:$0xb]  }
0x6a: {  	[hbm4b:s28+s21] =	stream.strided.scatter [tilespmem:s2], [sflag:$0x1], $0x6400, s22, s21, $0x38;
	[tilespmem:$0x9600] =	vst v63  }
0x6b: {  	s29 =	rddreg [dreg:$0xc]  }
0x6c: {  	[hbm4b:s29+s21] =	stream.strided.scatter [tilespmem:s2], [sflag:$0x1], $0x6400, s22, s21, $0x38;
	[tilespmem:$0x9600] =	vst v63  }
0x6d: {  	s26 =	rddreg [dreg:$0xd]  }
0x6e: {  	[hbm4b:s26+s21] =	stream.strided.scatter [tilespmem:s2], [sflag:$0x1], $0x6400, s22, s21, $0x38;
	[tilespmem:$0x9600] =	vst v63  }
0x6f: {  	s28 =	rddreg [dreg:$0xe]  }
0x70: {  	[hbm4b:s28+s21] =	stream.strided.scatter [tilespmem:s2], [sflag:$0x1], $0x6400, s22, s21, $0x38;
	[tilespmem:$0x9600] =	vst v63  }
0x71: {  	s29 =	rddreg [dreg:$0xf]  }
0x72: {  	[hbm4b:s29+s21] =	stream.strided.scatter [tilespmem:s2], [sflag:$0x1], $0x6400, s22, s21, $0x38;
	[tilespmem:$0x9600] =	vst v63  }
0x73: {  	s26 =	rddreg [dreg:$0x10]  }
0x74: {  	[hbm4b:s26+s21] =	stream.strided.scatter [tilespmem:s2], [sflag:$0x1], $0x6400, s22, s21, $0x38;
	[tilespmem:$0x9600] =	vst v63  }
0x75: {  	s28 =	rddreg [dreg:$0x11]  }
0x76: {  	[hbm4b:s28+s21] =	stream.strided.scatter [tilespmem:s2], [sflag:$0x1], $0x6400, s22, s21, $0x38;
	[tilespmem:$0x9600] =	vst v63  }
0x77: {  	s29 =	rddreg [dreg:$0x12]  }
0x78: {  	[hbm4b:s29+s21] =	stream.strided.scatter [tilespmem:s2], [sflag:$0x1], $0x6400, s22, s21, $0x38;
	[tilespmem:$0x9600] =	vst v63  }
0x79: {  	s26 =	rddreg [dreg:$0x13]  }
0x7a: {  	[hbm4b:s26+s21] =	stream.strided.scatter [tilespmem:s2], [sflag:$0x1], $0x6400, s22, s21, $0x38;
	[tilespmem:$0x9600] =	vst v63  }
0x7b: {  	s28 =	rddreg [dreg:$0x14]  }
0x7c: {  	[hbm4b:s28+s21] =	stream.strided.scatter [tilespmem:s2], [sflag:$0x1], $0x6400, s22, s21, $0x38;
	[tilespmem:$0x9600] =	vst v63  }
0x7d: {  	s29 =	rddreg [dreg:$0x15]  }
0x7e: {  	[hbm4b:s29+s21] =	stream.strided.scatter [tilespmem:s2], [sflag:$0x1], $0x6400, s22, s21, $0x38;
	[tilespmem:$0x9600] =	vst v63  }
0x7f: {  	s26 =	rddreg [dreg:$0x16]  }
0x80: {  	[hbm4b:s26+s21] =	stream.strided.scatter [tilespmem:s2], [sflag:$0x1], $0x6400, s22, s21, $0x38;
	[tilespmem:$0x9600] =	vst v63  }
0x81: {  	s28 =	rddreg [dreg:$0x17]  }
0x82: {  	[hbm4b:s28+s21] =	stream.strided.scatter [tilespmem:s2], [sflag:$0x1], $0x6400, s22, s21, $0x38;
	[tilespmem:$0x9600] =	vst v63  }
0x83: {  	s29 =	rddreg [dreg:$0x18]  }
0x84: {  	[hbm4b:s29+s21] =	stream.strided.scatter [tilespmem:s2], [sflag:$0x1], $0x6400, s22, s21, $0x38;
	[tilespmem:$0x9600] =	vst v63  }
0x85: {  	s26 =	rddreg [dreg:$0x19]  }
0x86: {  	[hbm4b:s26+s21] =	stream.strided.scatter [tilespmem:s2], [sflag:$0x1], $0x6400, s22, s21, $0x38;
	[tilespmem:$0x9600] =	vst v63  }
0x87: {  	s28 =	rddreg [dreg:$0x1a]  }
0x88: {  	[hbm4b:s28+s21] =	stream.strided.scatter [tilespmem:s2], [sflag:$0x1], $0x6400, s22, s21, $0x38;
	[tilespmem:$0x9600] =	vst v63  }
0x89: {  	s29 =	rddreg [dreg:$0x1b]  }
0x8a: {  	[hbm4b:s29+s21] =	stream.strided.scatter [tilespmem:s2], [sflag:$0x1], $0x6400, s22, s21, $0x38;
	[tilespmem:$0x9600] =	vst v63  }
0x8b: {  	_ = 	snop  }
0x8c: {  	[hbm4b:s1+s21] =	stream.strided.scatter [tilespmem:s2], [sflag:$0x1], $0x6400, s22, s21, $0x38;
	[tilespmem:$0x9600] =	vst v63  }
0x8d: {  	_ = 	snop  }
0x8e: {  	[hbm4b:s4+s21] =	stream.strided.scatter [tilespmem:s2], [sflag:$0x1], $0x6400, s22, s21, $0x38;
	[tilespmem:$0x9600] =	vst v63  }
0x8f: {  	_ = 	snop  }
0x90: {  	[hbm4b:s5+s21] =	stream.strided.scatter [tilespmem:s2], [sflag:$0x1], $0x6400, s22, s21, $0x38;
	[tilespmem:$0x9600] =	vst v63  }
0x91: {  	_ = 	snop  }
0x92: {  	[hbm4b:s6+s21] =	stream.strided.scatter [tilespmem:s2], [sflag:$0x1], $0x6400, s22, s21, $0x38;
	[tilespmem:$0x9600] =	vst v63  }
0x93: {  	_ = 	snop  }
0x94: {  	[hbm4b:s7+s21] =	stream.strided.scatter [tilespmem:s2], [sflag:$0x1], $0x6400, s22, s21, $0x38;
	[tilespmem:$0x9600] =	vst v63  }
0x95: {  	_ = 	snop  }
0x96: {  	[hbm4b:s9+s21] =	stream.strided.scatter [tilespmem:s2], [sflag:$0x1], $0x6400, s22, s21, $0x38;
	[tilespmem:$0x9600] =	vst v63  }
0x97: {  	_ = 	snop  }
0x98: {  	[hbm4b:s10+s21] =	stream.strided.scatter [tilespmem:s2], [sflag:$0x1], $0x6400, s22, s21, $0x38;
	[tilespmem:$0x9600] =	vst v63  }
0x99: {  	_ = 	snop  }
0x9a: {  	[hbm4b:s3+s21] =	stream.strided.scatter [tilespmem:s2], [sflag:$0x1], $0x6400, s22, s21, $0x38;
	[tilespmem:$0x9600] =	vst v63  }
0x9b: {  	_ =	swait.ge [sflag:s23], $0x6400  }
0x9c: {  	[sflag:s23] =	ssyncset.done $0x0  }
0x9d: {  	[sflag:s23] =	ssyncadd.s32 $0xFFFF9C00  }
0x9e: {  	_ =	swait.ge [sflag:s23], $0x6400  }
0x9f: {  	[sflag:s23] =	ssyncset.done $0x0  }
0xa0: {  	[sflag:s23] =	ssyncadd.s32 $0xFFFF9C00  }
0xa1: {  	_ =	swait.ge [sflag:s23], $0x6400  }
0xa2: {  	[sflag:s23] =	ssyncset.done $0x0  }
0xa3: {  	[sflag:s23] =	ssyncadd.s32 $0xFFFF9C00  }
0xa4: {  	_ =	swait.ge [sflag:s20], $0x6400  }
0xa5: {  	[sflag:s20] =	ssyncset.done $0x0  }
0xa6: {  	[sflag:s20] =	ssyncadd.s32 $0xFFFF9C00  }
0xa7: {  	_ =	swait.ge [sflag:s20], $0x6400  }
0xa8: {  	[sflag:s20] =	ssyncset.done $0x0  }
0xa9: {  	[sflag:s20] =	ssyncadd.s32 $0xFFFF9C00  }
0xaa: {  	_ =	swait.ge [sflag:s20], $0x6400  }
0xab: {  	[sflag:s20] =	ssyncset.done $0x0  }
0xac: {  	[sflag:s20] =	ssyncadd.s32 $0xFFFF9C00  }
0xad: {  	_ =	swait.ge [sflag:s20], $0x6400  }
0xae: {  	[sflag:s20] =	ssyncset.done $0x0  }
0xaf: {  	[sflag:s20] =	ssyncadd.s32 $0xFFFF9C00  }
0xb0: {  	_ =	swait.ge [sflag:s20], $0x6400  }
0xb1: {  	[sflag:s20] =	ssyncset.done $0x0  }
0xb2: {  	[sflag:s20] =	ssyncadd.s32 $0xFFFF9C00  }
0xb3: {  	_ =	swait.ge [sflag:s20], $0x6400  }
0xb4: {  	[sflag:s20] =	ssyncset.done $0x0  }
0xb5: {  	[sflag:s20] =	ssyncadd.s32 $0xFFFF9C00  }
0xb6: {  	_ =	swait.ge [sflag:s20], $0x6400  }
0xb7: {  	[sflag:s20] =	ssyncset.done $0x0  }
0xb8: {  	[sflag:s20] =	ssyncadd.s32 $0xFFFF9C00  }
0xb9: {  	_ =	swait.ge [sflag:s20], $0x6400  }
0xba: {  	[sflag:s20] =	ssyncset.done $0x0  }
0xbb: {  	[sflag:s20] =	ssyncadd.s32 $0xFFFF9C00  }
0xbc: {  	_ =	swait.ge [sflag:s20], $0x6400  }
0xbd: {  	[sflag:s20] =	ssyncset.done $0x0  }
0xbe: {  	[sflag:s20] =	ssyncadd.s32 $0xFFFF9C00  }
0xbf: {  	_ =	swait.ge [sflag:s20], $0x6400  }
0xc0: {  	[sflag:s20] =	ssyncset.done $0x0  }
0xc1: {  	[sflag:s20] =	ssyncadd.s32 $0xFFFF9C00  }
0xc2: {  	_ =	swait.ge [sflag:s20], $0x6400  }
0xc3: {  	[sflag:s20] =	ssyncset.done $0x0  }
0xc4: {  	[sflag:s20] =	ssyncadd.s32 $0xFFFF9C00  }
0xc5: {  	_ =	swait.ge [sflag:s20], $0x6400  }
0xc6: {  	[sflag:s20] =	ssyncset.done $0x0  }
0xc7: {  	[sflag:s20] =	ssyncadd.s32 $0xFFFF9C00  }
0xc8: {  	_ =	swait.ge [sflag:s20], $0x6400  }
0xc9: {  	[sflag:s20] =	ssyncset.done $0x0  }
0xca: {  	[sflag:s20] =	ssyncadd.s32 $0xFFFF9C00  }
0xcb: {  	_ =	swait.ge [sflag:s20], $0x6400  }
0xcc: {  	[sflag:s20] =	ssyncset.done $0x0  }
0xcd: {  	[sflag:s20] =	ssyncadd.s32 $0xFFFF9C00  }
0xce: {  	_ =	swait.ge [sflag:s20], $0x6400  }
0xcf: {  	[sflag:s20] =	ssyncset.done $0x0  }
0xd0: {  	[sflag:s20] =	ssyncadd.s32 $0xFFFF9C00  }
0xd1: {  	_ =	swait.ge [sflag:s20], $0x6400  }
0xd2: {  	[sflag:s20] =	ssyncset.done $0x0  }
0xd3: {  	[sflag:s20] =	ssyncadd.s32 $0xFFFF9C00  }
0xd4: {  	_ =	swait.ge [sflag:s20], $0x6400  }
0xd5: {  	[sflag:s20] =	ssyncset.done $0x0  }
0xd6: {  	[sflag:s20] =	ssyncadd.s32 $0xFFFF9C00  }
0xd7: {  	_ =	swait.ge [sflag:s20], $0x6400  }
0xd8: {  	[sflag:s20] =	ssyncset.done $0x0  }
0xd9: {  	[sflag:s20] =	ssyncadd.s32 $0xFFFF9C00  }
0xda: {  	_ =	swait.ge [sflag:s20], $0x6400  }
0xdb: {  	[sflag:s20] =	ssyncset.done $0x0  }
0xdc: {  	[sflag:s20] =	ssyncadd.s32 $0xFFFF9C00  }
0xdd: {  	_ =	swait.ge [sflag:s20], $0x6400  }
0xde: {  	[sflag:s20] =	ssyncset.done $0x0  }
0xdf: {  	[sflag:s20] =	ssyncadd.s32 $0xFFFF9C00  }
0xe0: {  	_ =	swait.ge [sflag:s20], $0x6400  }
0xe1: {  	[sflag:s20] =	ssyncset.done $0x0  }
0xe2: {  	[sflag:s20] =	ssyncadd.s32 $0xFFFF9C00  }
0xe3: {  	_ =	swait.ge [sflag:s20], $0x6400  }
0xe4: {  	[sflag:s20] =	ssyncset.done $0x0  }
0xe5: {  	[sflag:s20] =	ssyncadd.s32 $0xFFFF9C00  }
0xe6: {  	_ =	swait.ge [sflag:s20], $0x6400  }
0xe7: {  	[sflag:s20] =	ssyncset.done $0x0  }
0xe8: {  	[sflag:s20] =	ssyncadd.s32 $0xFFFF9C00  }
0xe9: {  	_ =	swait.ge [sflag:s20], $0x6400  }
0xea: {  	[sflag:s20] =	ssyncset.done $0x0  }
0xeb: {  	[sflag:s20] =	ssyncadd.s32 $0xFFFF9C00  }
0xec: {  	_ =	swait.ge [sflag:s20], $0x6400  }
0xed: {  	[sflag:s20] =	ssyncset.done $0x0  }
0xee: {  	[sflag:s20] =	ssyncadd.s32 $0xFFFF9C00  }
0xef: {  	_ =	swait.ge [sflag:s20], $0x6400  }
0xf0: {  	[sflag:s20] =	ssyncset.done $0x0  }
0xf1: {  	[sflag:s20] =	ssyncadd.s32 $0xFFFF9C00  }
0xf2: {  	_ =	swait.ge [sflag:s20], $0x6400  }
0xf3: {  	[sflag:s20] =	ssyncset.done $0x0  }
0xf4: {  	[sflag:s20] =	ssyncadd.s32 $0xFFFF9C00  }
0xf5: {  	_ =	swait.ge [sflag:s20], $0x6400  }
0xf6: {  	[sflag:s20] =	ssyncset.done $0x0  }
0xf7: {  	[sflag:s20] =	ssyncadd.s32 $0xFFFF9C00  }
0xf8: {  	_ =	swait.ge [sflag:s20], $0x6400  }
0xf9: {  	[sflag:s20] =	ssyncset.done $0x0  }
0xfa: {  	[sflag:s20] =	ssyncadd.s32 $0xFFFF9C00  }
0xfb: {  	_ =	swait.ge [sflag:s20], $0x6400  }
0xfc: {  	[sflag:s20] =	ssyncset.done $0x0  }
0xfd: {  	[sflag:s20] =	ssyncadd.s32 $0xFFFF9C00  }
0xfe: {  	_ =	swait.ge [sflag:s20], $0x6400  }
0xff: {  	[sflag:s20] =	ssyncset.done $0x0  }
0x100: {  	[sflag:s20] =	ssyncadd.s32 $0xFFFF9C00  }
0x101: {  	_ =	swait.ge [sflag:s20], $0x6400  }
0x102: {  	[sflag:s20] =	ssyncset.done $0x0  }
0x103: {  	[sflag:s20] =	ssyncadd.s32 $0xFFFF9C00  }
0x104: {  	_ =	swait.ge [sflag:s20], $0x6400  }
0x105: {  	[sflag:s20] =	ssyncset.done $0x0  }
0x106: {  	[sflag:s20] =	ssyncadd.s32 $0xFFFF9C00  }
0x107: {  	_ =	swait.ge [sflag:s20], $0x6400  }
0x108: {  	[sflag:s20] =	ssyncset.done $0x0  }
0x109: {  	[sflag:s20] =	ssyncadd.s32 $0xFFFF9C00  }
0x10a: {  	_ =	swait.ge [sflag:s20], $0x6400  }
0x10b: {  	[sflag:s20] =	ssyncset.done $0x0  }
0x10c: {  	[sflag:s20] =	ssyncadd.s32 $0xFFFF9C00  }
0x10d: {  	_ =	swait.ge [sflag:s20], $0x6400  }
0x10e: {  	[sflag:s20] =	ssyncset.done $0x0  }
0x10f: {  	[sflag:s20] =	ssyncadd.s32 $0xFFFF9C00  }
0x110: {  	_ =	swait.ge [sflag:s20], $0x6400  }
0x111: {  	[sflag:s20] =	ssyncset.done $0x0  }
0x112: {  	[sflag:s20] =	ssyncadd.s32 $0xFFFF9C00  }
0x113: {  	_ =	swait.ge [sflag:s20], $0x6400  }
0x114: {  	[sflag:s20] =	ssyncset.done $0x0  }
0x115: {  	s24 =	sadd.s32 $0x1, s24;
	[sflag:s20] =	ssyncadd.s32 $0xFFFF9C00  }
0x116: {  	p0 =	sne.s32 s24, s15;
	_ =	swait.ge [sflag:s20], $0x6400  }
.Ltmp2:
0x117: {  	[sflag:s20] =	ssyncset.done $0x0;
	(pc) =	sbr.rel @p0 .LBB2_1-.Ltmp2, $4  }
0x118: {  	[sflag:s20] =	ssyncadd.s32 $0xFFFF9C00  }
0x119: {  	_ =	swait.ge [sflag:s20], $0x6400  }
0x11a: {  	[sflag:s20] =	ssyncset.done $0x0  }
0x11b: {  	[sflag:s20] =	ssyncadd.s32 $0xFFFF9C00  }
0x11c: {  	_ =	sfence.sel $0x180000  }
0x11d: {  	[bflag:$0x0] =	sbarrier.arrive $0xFFFF  }
0x11e: {  	_ =	strace $0x90000047  }
0x11f: {  	s0 =	stileid.u32;
	[bflag:$0x2] =	sbarrier.arrive $0xFFFF  }
0x120: {  	p0 =	sne.s32 s0, $0x0;
	s0 =	rddreg [dreg:$0x3]  }
0x121: {  	s0 =	sadd.s32 @!p0 $0x100000, s0  }
0x122: {  	[sflag:s0] =	ssyncadd.tile.s32 @!p0 $0x1;
	_ =	shalt  }
.Lfunc_end2:
_tile_overlayer_lowered:
.L_overlay_start_2:
0x123: {  	(tag) =	ssettag $0x2  }
0x124: {  	s0 =	rddreg [dreg:$0x0];
	s2 =	stileid.u32  }
0x125: {  	s1 =	rddreg [dreg:$0x1];
	p0 =	sne.s32 s2, $0x0  }
0x126: {  	s3 =	rddreg [dreg:$0x2];
	[bflag:$0x3] =	sbarrier.arrive $0xFFFF;
	s2 =	simm.s32 @!p0 $0x1C03  }
0x127: {  	[timem:s3], [sflag:s2] =	dma.local @!p0 [hbm:s0], s1  }
0x128: {  	s0 =	simm.s32 @!p0 $0x3  }
0x129: {  	_ =	swait.ge @!p0 [sflag:s0], s1  }
0x12a: {  	s1 =	ssub.s32 @!p0 $0x0, s1;
	[sflag:s0] =	ssyncset.done @!p0 $0x0  }
0x12b: {  	[sflag:s0] =	ssyncadd.s32 @!p0 s1  }
0x12c: {  	[bflag:$0x3] =	sbarrier.arrive $0xFFFF  }
0x12d: {  	_ =	shalt  }

</sc_bundles>
